<compile_context>
chip_gen: v7x
topology: tpu7x:2x2x1
jax: 0.10.2.dev20260603
libtpu: 0.0.44.dev20260713+nightly
codegen_flags: <defaults>
</compile_context>

<pallas_src>
import functools

import jax
import jax.numpy as jnp
from jax import lax
from jax.experimental import pallas as pl
from jax.experimental.pallas import tpu as pltpu
from jax.experimental.pallas import tpu_sc as plsc

NUM_ANGLES = 100000
EMBED_DIM = 32
PAD_DIM = 128
BATCH = 16384
HIST = 200

B = BATCH * HIST
NC = 2
NS = 16
NW = NC * NS
IDX_MINOR = 160
ROWS_PER_GROUP = 1600
K = ROWS_PER_GROUP // IDX_MINOR
GROUPS = B // (NW * ROWS_PER_GROUP)
IDX_ROWS_PER_WORKER = B // (NW * IDX_MINOR)


def _make_sc_gather():
    mesh = plsc.VectorSubcoreMesh(core_axis_name="c", subcore_axis_name="s")

    @functools.partial(
        pl.kernel,
        mesh=mesh,
        out_type=jax.ShapeDtypeStruct((B, PAD_DIM), jnp.float32),
        scratch_types=[
            pltpu.VMEM((K, IDX_MINOR), jnp.int32),
            pltpu.VMEM((K, IDX_MINOR), jnp.int32),
            pltpu.VMEM((ROWS_PER_GROUP, EMBED_DIM), jnp.float32),
            pltpu.VMEM((ROWS_PER_GROUP, EMBED_DIM), jnp.float32),
            pltpu.SemaphoreType.DMA,
            pltpu.SemaphoreType.DMA,
            pltpu.SemaphoreType.DMA,
            pltpu.SemaphoreType.DMA,
        ],
        compiler_params=pltpu.CompilerParams(use_tc_tiling_on_sc=False),
    )
    def gather_kernel(idx_hbm, table_hbm, out_hbm,
                      idx0, idx1, rows0, rows1,
                      gsem0, gsem1, ssem0, ssem1):
        wid = lax.axis_index("s") * NC + lax.axis_index("c")
        idx_row_base = wid * IDX_ROWS_PER_WORKER
        out_base = wid * IDX_ROWS_PER_WORKER * IDX_MINOR

        def out_slice(g):
            return out_hbm.at[pl.ds(out_base + g * ROWS_PER_GROUP,
                                    ROWS_PER_GROUP), pl.ds(0, EMBED_DIM)]

        def load_and_fire(g, idx_v, rows_v, gsem):
            pltpu.sync_copy(idx_hbm.at[pl.ds(idx_row_base + g * K, K)], idx_v)
            return [
                pltpu.async_copy(
                    table_hbm.at[idx_v.at[j]],
                    rows_v.at[pl.ds(j * IDX_MINOR, IDX_MINOR)],
                    gsem,
                )
                for j in range(K)
            ]

        h0 = load_and_fire(0, idx0, rows0, gsem0)
        h1 = load_and_fire(1, idx1, rows1, gsem1)
        for h in h0:
            h.wait()
        pltpu.async_copy(rows0, out_slice(0), ssem0)
        for h in h1:
            h.wait()
        pltpu.async_copy(rows1, out_slice(1), ssem1)

        def body(gg, _):
            a = 2 * gg
            b = a + 1
            pltpu.make_async_copy(rows0, out_slice(a), ssem0).wait()
            ha = load_and_fire(a, idx0, rows0, gsem0)
            pltpu.make_async_copy(rows1, out_slice(b), ssem1).wait()
            hb = load_and_fire(b, idx1, rows1, gsem1)
            for h in ha:
                h.wait()
            pltpu.async_copy(rows0, out_slice(a), ssem0)
            for h in hb:
                h.wait()
            pltpu.async_copy(rows1, out_slice(b), ssem1)
            return ()

        lax.fori_loop(1, GROUPS // 2, body, (), unroll=False)

        pltpu.make_async_copy(rows0, out_slice(0), ssem0).wait()
        pltpu.make_async_copy(rows1, out_slice(1), ssem1).wait()

    return gather_kernel


_sc_gather = _make_sc_gather()


def kernel(theta, table):
    idx2d = theta.reshape(B // IDX_MINOR, IDX_MINOR).astype(jnp.int32)
    out_pad = _sc_gather(idx2d, table)
    return out_pad.reshape(BATCH, HIST, PAD_DIM)[:, :, :EMBED_DIM]

# --- scband reference (transcript-rebuilt; emitter-appended) ---
"""Pipeline reference for scband-angle-module-50929722196536 (READ-ONLY COPY).

The authoritative reference and input builder live on the scoring server;
editing this copy changes nothing except your own understanding.
"""

import jax, jax.numpy as jnp
import numpy as np

NUM_ANGLES = 100000
EMBED_DIM = 32
BATCH = 16384
HIST = 200

def setup_inputs(seed: int = 0) -> dict:
    key = jax.random.key(seed)
    k_idx, k_w = jax.random.split(key)
    theta = jax.random.randint(k_idx, (BATCH, HIST), 0, NUM_ANGLES, dtype=jnp.int64 if jax.config.jax_enable_x64 else jnp.int32)
    # nn.Embedding default init: N(0, 1)
    table = jax.random.normal(k_w, (NUM_ANGLES, EMBED_DIM), dtype=jnp.float32)
    return {"theta": theta, "table": table}

def reference(theta, table):
    # Faithful translation of nn.Embedding forward: gather rows by index
    return jnp.take(table, theta, axis=0)

if __name__ == "__main__":
    import jax
    _d = setup_inputs()
    print(jax.jit(kernel)(*tuple(_d.values())))

</pallas_src>

<mosaic_0001>
#map = affine_map<(d0, d1) -> (0, 0)>
module attributes {stable_mosaic.version = 14 : i64} {
  func.func @gather_kernel(%arg0: i32, %arg1: i32, %arg2: memref<20480x160xi32, #tpu.memory_space<hbm>>, %arg3: memref<100000x32xf32, #tpu.memory_space<hbm>>, %arg4: memref<3276800x128xf32, #tpu.memory_space<hbm>>, %arg5: memref<10x160xi32, #tpu.memory_space<vmem>>, %arg6: memref<10x160xi32, #tpu.memory_space<vmem>>, %arg7: memref<1600x32xf32, #tpu.memory_space<vmem>>, %arg8: memref<1600x32xf32, #tpu.memory_space<vmem>>, %arg9: memref<!tpu.dma_semaphore, #tpu.memory_space<semaphore_mem>>, %arg10: memref<!tpu.dma_semaphore, #tpu.memory_space<semaphore_mem>>, %arg11: memref<!tpu.dma_semaphore, #tpu.memory_space<semaphore_mem>>, %arg12: memref<!tpu.dma_semaphore, #tpu.memory_space<semaphore_mem>>) attributes {dimension_semantics = [#tpu.dimension_semantics<core_parallel>, #tpu.dimension_semantics<subcore_parallel>], iteration_bounds = array<i64: 2, 16>, scalar_prefetch = 0 : i64, scratch_operands = 8 : i64, tpu.core_type = #tpu.core_type<sc_vector_subcore>, window_params = [{transform_indices = #map}, {transform_indices = #map}, {transform_indices = #map}]} {
    %mul3A = arith.constant 2 : i32
    %mul3A_0 = arith.muli %arg1, %mul3A : i32
    %add3A = arith.addi %mul3A_0, %arg0 : i32
    %mul3A_1 = arith.constant 640 : i32
    %mul3A_2 = arith.muli %add3A, %mul3A_1 : i32
    %mul3A_3 = arith.constant 640 : i32
    %mul3A_4 = arith.muli %add3A, %mul3A_3 : i32
    %mul3A_5 = arith.constant 160 : i32
    %mul3A_6 = arith.muli %mul3A_4, %mul3A_5 : i32
    %add3A_7 = arith.constant 0 : i32
    %add3A_8 = arith.addi %mul3A_2, %add3A_7 : i32
    "tpu.region"() ({
      %run_scoped3A = tpu.sem_alloc : memref<!tpu.dma_semaphore, #tpu.memory_space<semaphore_mem>>
      %dma_start3A_437 = arith.constant 0 : i32
      %dma_start3A_438 = tpu.memref_slice %arg2[%add3A_8, %dma_start3A_437] : memref<20480x160xi32, #tpu.memory_space<hbm>> -> memref<10x160xi32, #tpu.memory_space<hbm>>
      %dma_start3A_439 = arith.constant 0 : i32
      %dma_start3A_440 = tpu.memref_slice %arg2[%add3A_8, %dma_start3A_439] : memref<20480x160xi32, #tpu.memory_space<hbm>> -> memref<10x160xi32, #tpu.memory_space<hbm>>
      tpu.enqueue_dma source(%dma_start3A_440 : memref<10x160xi32, #tpu.memory_space<hbm>>) target(%arg5 : memref<10x160xi32, #tpu.memory_space<vmem>>) target_semaphore(%run_scoped3A : memref<!tpu.dma_semaphore, #tpu.memory_space<semaphore_mem>>)
      %dma_wait3A_441 = arith.constant 0 : i32
      %dma_wait3A_442 = tpu.memref_slice %arg2[%add3A_8, %dma_wait3A_441] : memref<20480x160xi32, #tpu.memory_space<hbm>> -> memref<10x160xi32, #tpu.memory_space<hbm>>
      %dma_wait3A_443 = arith.constant 0 : i32
      %dma_wait3A_444 = tpu.memref_slice %arg2[%add3A_8, %dma_wait3A_443] : memref<20480x160xi32, #tpu.memory_space<hbm>> -> memref<10x160xi32, #tpu.memory_space<hbm>>
      tpu.wait_dma2 semaphore(%run_scoped3A : memref<!tpu.dma_semaphore, #tpu.memory_space<semaphore_mem>>) src(%dma_wait3A_444 : memref<10x160xi32, #tpu.memory_space<hbm>>) dst(%arg5 : memref<10x160xi32, #tpu.memory_space<vmem>>)
      tpu.yield
    }) : () -> ()
    %dma_start3A = arith.constant 0 : i32
    %dma_start3A_9 = arith.constant 0 : i32
    %dma_start3A_10 = arith.constant 0 : i32
    %dma_start3A_11 = tpu.memref_slice %arg7[%dma_start3A_9, %dma_start3A_10] : memref<1600x32xf32, #tpu.memory_space<vmem>> -> memref<160x32xf32, #tpu.memory_space<vmem>>
    %dma_start3A_12 = arith.constant 0 : i32
    %dma_start3A_13 = tpu.memref_slice %arg5[%dma_start3A, %dma_start3A_12] : memref<10x160xi32, #tpu.memory_space<vmem>> -> memref<1x160xi32, #tpu.memory_space<vmem>>
    %dma_start3A_14 = tpu.memref_squeeze %dma_start3A_13 : memref<1x160xi32, #tpu.memory_space<vmem>> -> memref<160xi32, #tpu.memory_space<vmem>>
    %dma_start3A_15 = arith.constant 0 : i32
    %dma_start3A_16 = arith.constant 0 : i32
    %dma_start3A_17 = tpu.memref_slice %arg3[%dma_start3A_15, %dma_start3A_16] : memref<100000x32xf32, #tpu.memory_space<hbm>> -> memref<100000x32xf32, #tpu.memory_space<hbm>>
    tpu.enqueue_indirect_dma source(%dma_start3A_17 : memref<100000x32xf32, #tpu.memory_space<hbm>>) target(%dma_start3A_11 : memref<160x32xf32, #tpu.memory_space<vmem>>) offsets(%dma_start3A_14 : memref<160xi32, #tpu.memory_space<vmem>>) semaphore(%arg9 : memref<!tpu.dma_semaphore, #tpu.memory_space<semaphore_mem>>)
    %dma_start3A_18 = arith.constant 1 : i32
    %dma_start3A_19 = arith.constant 160 : i32
    %dma_start3A_20 = arith.constant 0 : i32
    %dma_start3A_21 = tpu.memref_slice %arg7[%dma_start3A_19, %dma_start3A_20] : memref<1600x32xf32, #tpu.memory_space<vmem>> -> memref<160x32xf32, #tpu.memory_space<vmem>>
    %dma_start3A_22 = arith.constant 0 : i32
    %dma_start3A_23 = tpu.memref_slice %arg5[%dma_start3A_18, %dma_start3A_22] : memref<10x160xi32, #tpu.memory_space<vmem>> -> memref<1x160xi32, #tpu.memory_space<vmem>>
    %dma_start3A_24 = tpu.memref_squeeze %dma_start3A_23 : memref<1x160xi32, #tpu.memory_space<vmem>> -> memref<160xi32, #tpu.memory_space<vmem>>
    %dma_start3A_25 = arith.constant 0 : i32
    %dma_start3A_26 = arith.constant 0 : i32
    %dma_start3A_27 = tpu.memref_slice %arg3[%dma_start3A_25, %dma_start3A_26] : memref<100000x32xf32, #tpu.memory_space<hbm>> -> memref<100000x32xf32, #tpu.memory_space<hbm>>
    tpu.enqueue_indirect_dma source(%dma_start3A_27 : memref<100000x32xf32, #tpu.memory_space<hbm>>) target(%dma_start3A_21 : memref<160x32xf32, #tpu.memory_space<vmem>>) offsets(%dma_start3A_24 : memref<160xi32, #tpu.memory_space<vmem>>) semaphore(%arg9 : memref<!tpu.dma_semaphore, #tpu.memory_space<semaphore_mem>>)
    %dma_start3A_28 = arith.constant 2 : i32
    %dma_start3A_29 = arith.constant 320 : i32
    %dma_start3A_30 = arith.constant 0 : i32
    %dma_start3A_31 = tpu.memref_slice %arg7[%dma_start3A_29, %dma_start3A_30] : memref<1600x32xf32, #tpu.memory_space<vmem>> -> memref<160x32xf32, #tpu.memory_space<vmem>>
    %dma_start3A_32 = arith.constant 0 : i32
    %dma_start3A_33 = tpu.memref_slice %arg5[%dma_start3A_28, %dma_start3A_32] : memref<10x160xi32, #tpu.memory_space<vmem>> -> memref<1x160xi32, #tpu.memory_space<vmem>>
    %dma_start3A_34 = tpu.memref_squeeze %dma_start3A_33 : memref<1x160xi32, #tpu.memory_space<vmem>> -> memref<160xi32, #tpu.memory_space<vmem>>
    %dma_start3A_35 = arith.constant 0 : i32
    %dma_start3A_36 = arith.constant 0 : i32
    %dma_start3A_37 = tpu.memref_slice %arg3[%dma_start3A_35, %dma_start3A_36] : memref<100000x32xf32, #tpu.memory_space<hbm>> -> memref<100000x32xf32, #tpu.memory_space<hbm>>
    tpu.enqueue_indirect_dma source(%dma_start3A_37 : memref<100000x32xf32, #tpu.memory_space<hbm>>) target(%dma_start3A_31 : memref<160x32xf32, #tpu.memory_space<vmem>>) offsets(%dma_start3A_34 : memref<160xi32, #tpu.memory_space<vmem>>) semaphore(%arg9 : memref<!tpu.dma_semaphore, #tpu.memory_space<semaphore_mem>>)
    %dma_start3A_38 = arith.constant 3 : i32
    %dma_start3A_39 = arith.constant 480 : i32
    %dma_start3A_40 = arith.constant 0 : i32
    %dma_start3A_41 = tpu.memref_slice %arg7[%dma_start3A_39, %dma_start3A_40] : memref<1600x32xf32, #tpu.memory_space<vmem>> -> memref<160x32xf32, #tpu.memory_space<vmem>>
    %dma_start3A_42 = arith.constant 0 : i32
    %dma_start3A_43 = tpu.memref_slice %arg5[%dma_start3A_38, %dma_start3A_42] : memref<10x160xi32, #tpu.memory_space<vmem>> -> memref<1x160xi32, #tpu.memory_space<vmem>>
    %dma_start3A_44 = tpu.memref_squeeze %dma_start3A_43 : memref<1x160xi32, #tpu.memory_space<vmem>> -> memref<160xi32, #tpu.memory_space<vmem>>
    %dma_start3A_45 = arith.constant 0 : i32
    %dma_start3A_46 = arith.constant 0 : i32
    %dma_start3A_47 = tpu.memref_slice %arg3[%dma_start3A_45, %dma_start3A_46] : memref<100000x32xf32, #tpu.memory_space<hbm>> -> memref<100000x32xf32, #tpu.memory_space<hbm>>
    tpu.enqueue_indirect_dma source(%dma_start3A_47 : memref<100000x32xf32, #tpu.memory_space<hbm>>) target(%dma_start3A_41 : memref<160x32xf32, #tpu.memory_space<vmem>>) offsets(%dma_start3A_44 : memref<160xi32, #tpu.memory_space<vmem>>) semaphore(%arg9 : memref<!tpu.dma_semaphore, #tpu.memory_space<semaphore_mem>>)
    %dma_start3A_48 = arith.constant 4 : i32
    %dma_start3A_49 = arith.constant 640 : i32
    %dma_start3A_50 = arith.constant 0 : i32
    %dma_start3A_51 = tpu.memref_slice %arg7[%dma_start3A_49, %dma_start3A_50] : memref<1600x32xf32, #tpu.memory_space<vmem>> -> memref<160x32xf32, #tpu.memory_space<vmem>>
    %dma_start3A_52 = arith.constant 0 : i32
    %dma_start3A_53 = tpu.memref_slice %arg5[%dma_start3A_48, %dma_start3A_52] : memref<10x160xi32, #tpu.memory_space<vmem>> -> memref<1x160xi32, #tpu.memory_space<vmem>>
    %dma_start3A_54 = tpu.memref_squeeze %dma_start3A_53 : memref<1x160xi32, #tpu.memory_space<vmem>> -> memref<160xi32, #tpu.memory_space<vmem>>
    %dma_start3A_55 = arith.constant 0 : i32
    %dma_start3A_56 = arith.constant 0 : i32
    %dma_start3A_57 = tpu.memref_slice %arg3[%dma_start3A_55, %dma_start3A_56] : memref<100000x32xf32, #tpu.memory_space<hbm>> -> memref<100000x32xf32, #tpu.memory_space<hbm>>
    tpu.enqueue_indirect_dma source(%dma_start3A_57 : memref<100000x32xf32, #tpu.memory_space<hbm>>) target(%dma_start3A_51 : memref<160x32xf32, #tpu.memory_space<vmem>>) offsets(%dma_start3A_54 : memref<160xi32, #tpu.memory_space<vmem>>) semaphore(%arg9 : memref<!tpu.dma_semaphore, #tpu.memory_space<semaphore_mem>>)
    %dma_start3A_58 = arith.constant 5 : i32
    %dma_start3A_59 = arith.constant 800 : i32
    %dma_start3A_60 = arith.constant 0 : i32
    %dma_start3A_61 = tpu.memref_slice %arg7[%dma_start3A_59, %dma_start3A_60] : memref<1600x32xf32, #tpu.memory_space<vmem>> -> memref<160x32xf32, #tpu.memory_space<vmem>>
    %dma_start3A_62 = arith.constant 0 : i32
    %dma_start3A_63 = tpu.memref_slice %arg5[%dma_start3A_58, %dma_start3A_62] : memref<10x160xi32, #tpu.memory_space<vmem>> -> memref<1x160xi32, #tpu.memory_space<vmem>>
    %dma_start3A_64 = tpu.memref_squeeze %dma_start3A_63 : memref<1x160xi32, #tpu.memory_space<vmem>> -> memref<160xi32, #tpu.memory_space<vmem>>
    %dma_start3A_65 = arith.constant 0 : i32
    %dma_start3A_66 = arith.constant 0 : i32
    %dma_start3A_67 = tpu.memref_slice %arg3[%dma_start3A_65, %dma_start3A_66] : memref<100000x32xf32, #tpu.memory_space<hbm>> -> memref<100000x32xf32, #tpu.memory_space<hbm>>
    tpu.enqueue_indirect_dma source(%dma_start3A_67 : memref<100000x32xf32, #tpu.memory_space<hbm>>) target(%dma_start3A_61 : memref<160x32xf32, #tpu.memory_space<vmem>>) offsets(%dma_start3A_64 : memref<160xi32, #tpu.memory_space<vmem>>) semaphore(%arg9 : memref<!tpu.dma_semaphore, #tpu.memory_space<semaphore_mem>>)
    %dma_start3A_68 = arith.constant 6 : i32
    %dma_start3A_69 = arith.constant 960 : i32
    %dma_start3A_70 = arith.constant 0 : i32
    %dma_start3A_71 = tpu.memref_slice %arg7[%dma_start3A_69, %dma_start3A_70] : memref<1600x32xf32, #tpu.memory_space<vmem>> -> memref<160x32xf32, #tpu.memory_space<vmem>>
    %dma_start3A_72 = arith.constant 0 : i32
    %dma_start3A_73 = tpu.memref_slice %arg5[%dma_start3A_68, %dma_start3A_72] : memref<10x160xi32, #tpu.memory_space<vmem>> -> memref<1x160xi32, #tpu.memory_space<vmem>>
    %dma_start3A_74 = tpu.memref_squeeze %dma_start3A_73 : memref<1x160xi32, #tpu.memory_space<vmem>> -> memref<160xi32, #tpu.memory_space<vmem>>
    %dma_start3A_75 = arith.constant 0 : i32
    %dma_start3A_76 = arith.constant 0 : i32
    %dma_start3A_77 = tpu.memref_slice %arg3[%dma_start3A_75, %dma_start3A_76] : memref<100000x32xf32, #tpu.memory_space<hbm>> -> memref<100000x32xf32, #tpu.memory_space<hbm>>
    tpu.enqueue_indirect_dma source(%dma_start3A_77 : memref<100000x32xf32, #tpu.memory_space<hbm>>) target(%dma_start3A_71 : memref<160x32xf32, #tpu.memory_space<vmem>>) offsets(%dma_start3A_74 : memref<160xi32, #tpu.memory_space<vmem>>) semaphore(%arg9 : memref<!tpu.dma_semaphore, #tpu.memory_space<semaphore_mem>>)
    %dma_start3A_78 = arith.constant 7 : i32
    %dma_start3A_79 = arith.constant 1120 : i32
    %dma_start3A_80 = arith.constant 0 : i32
    %dma_start3A_81 = tpu.memref_slice %arg7[%dma_start3A_79, %dma_start3A_80] : memref<1600x32xf32, #tpu.memory_space<vmem>> -> memref<160x32xf32, #tpu.memory_space<vmem>>
    %dma_start3A_82 = arith.constant 0 : i32
    %dma_start3A_83 = tpu.memref_slice %arg5[%dma_start3A_78, %dma_start3A_82] : memref<10x160xi32, #tpu.memory_space<vmem>> -> memref<1x160xi32, #tpu.memory_space<vmem>>
    %dma_start3A_84 = tpu.memref_squeeze %dma_start3A_83 : memref<1x160xi32, #tpu.memory_space<vmem>> -> memref<160xi32, #tpu.memory_space<vmem>>
    %dma_start3A_85 = arith.constant 0 : i32
    %dma_start3A_86 = arith.constant 0 : i32
    %dma_start3A_87 = tpu.memref_slice %arg3[%dma_start3A_85, %dma_start3A_86] : memref<100000x32xf32, #tpu.memory_space<hbm>> -> memref<100000x32xf32, #tpu.memory_space<hbm>>
    tpu.enqueue_indirect_dma source(%dma_start3A_87 : memref<100000x32xf32, #tpu.memory_space<hbm>>) target(%dma_start3A_81 : memref<160x32xf32, #tpu.memory_space<vmem>>) offsets(%dma_start3A_84 : memref<160xi32, #tpu.memory_space<vmem>>) semaphore(%arg9 : memref<!tpu.dma_semaphore, #tpu.memory_space<semaphore_mem>>)
    %dma_start3A_88 = arith.constant 8 : i32
    %dma_start3A_89 = arith.constant 1280 : i32
    %dma_start3A_90 = arith.constant 0 : i32
    %dma_start3A_91 = tpu.memref_slice %arg7[%dma_start3A_89, %dma_start3A_90] : memref<1600x32xf32, #tpu.memory_space<vmem>> -> memref<160x32xf32, #tpu.memory_space<vmem>>
    %dma_start3A_92 = arith.constant 0 : i32
    %dma_start3A_93 = tpu.memref_slice %arg5[%dma_start3A_88, %dma_start3A_92] : memref<10x160xi32, #tpu.memory_space<vmem>> -> memref<1x160xi32, #tpu.memory_space<vmem>>
    %dma_start3A_94 = tpu.memref_squeeze %dma_start3A_93 : memref<1x160xi32, #tpu.memory_space<vmem>> -> memref<160xi32, #tpu.memory_space<vmem>>
    %dma_start3A_95 = arith.constant 0 : i32
    %dma_start3A_96 = arith.constant 0 : i32
    %dma_start3A_97 = tpu.memref_slice %arg3[%dma_start3A_95, %dma_start3A_96] : memref<100000x32xf32, #tpu.memory_space<hbm>> -> memref<100000x32xf32, #tpu.memory_space<hbm>>
    tpu.enqueue_indirect_dma source(%dma_start3A_97 : memref<100000x32xf32, #tpu.memory_space<hbm>>) target(%dma_start3A_91 : memref<160x32xf32, #tpu.memory_space<vmem>>) offsets(%dma_start3A_94 : memref<160xi32, #tpu.memory_space<vmem>>) semaphore(%arg9 : memref<!tpu.dma_semaphore, #tpu.memory_space<semaphore_mem>>)
    %dma_start3A_98 = arith.constant 9 : i32
    %dma_start3A_99 = arith.constant 1440 : i32
    %dma_start3A_100 = arith.constant 0 : i32
    %dma_start3A_101 = tpu.memref_slice %arg7[%dma_start3A_99, %dma_start3A_100] : memref<1600x32xf32, #tpu.memory_space<vmem>> -> memref<160x32xf32, #tpu.memory_space<vmem>>
    %dma_start3A_102 = arith.constant 0 : i32
    %dma_start3A_103 = tpu.memref_slice %arg5[%dma_start3A_98, %dma_start3A_102] : memref<10x160xi32, #tpu.memory_space<vmem>> -> memref<1x160xi32, #tpu.memory_space<vmem>>
    %dma_start3A_104 = tpu.memref_squeeze %dma_start3A_103 : memref<1x160xi32, #tpu.memory_space<vmem>> -> memref<160xi32, #tpu.memory_space<vmem>>
    %dma_start3A_105 = arith.constant 0 : i32
    %dma_start3A_106 = arith.constant 0 : i32
    %dma_start3A_107 = tpu.memref_slice %arg3[%dma_start3A_105, %dma_start3A_106] : memref<100000x32xf32, #tpu.memory_space<hbm>> -> memref<100000x32xf32, #tpu.memory_space<hbm>>
    tpu.enqueue_indirect_dma source(%dma_start3A_107 : memref<100000x32xf32, #tpu.memory_space<hbm>>) target(%dma_start3A_101 : memref<160x32xf32, #tpu.memory_space<vmem>>) offsets(%dma_start3A_104 : memref<160xi32, #tpu.memory_space<vmem>>) semaphore(%arg9 : memref<!tpu.dma_semaphore, #tpu.memory_space<semaphore_mem>>)
    %add3A_108 = arith.constant 10 : i32
    %add3A_109 = arith.addi %mul3A_2, %add3A_108 : i32
    "tpu.region"() ({
      %run_scoped3A = tpu.sem_alloc : memref<!tpu.dma_semaphore, #tpu.memory_space<semaphore_mem>>
      %dma_start3A_437 = arith.constant 0 : i32
      %dma_start3A_438 = tpu.memref_slice %arg2[%add3A_109, %dma_start3A_437] : memref<20480x160xi32, #tpu.memory_space<hbm>> -> memref<10x160xi32, #tpu.memory_space<hbm>>
      %dma_start3A_439 = arith.constant 0 : i32
      %dma_start3A_440 = tpu.memref_slice %arg2[%add3A_109, %dma_start3A_439] : memref<20480x160xi32, #tpu.memory_space<hbm>> -> memref<10x160xi32, #tpu.memory_space<hbm>>
      tpu.enqueue_dma source(%dma_start3A_440 : memref<10x160xi32, #tpu.memory_space<hbm>>) target(%arg6 : memref<10x160xi32, #tpu.memory_space<vmem>>) target_semaphore(%run_scoped3A : memref<!tpu.dma_semaphore, #tpu.memory_space<semaphore_mem>>)
      %dma_wait3A_441 = arith.constant 0 : i32
      %dma_wait3A_442 = tpu.memref_slice %arg2[%add3A_109, %dma_wait3A_441] : memref<20480x160xi32, #tpu.memory_space<hbm>> -> memref<10x160xi32, #tpu.memory_space<hbm>>
      %dma_wait3A_443 = arith.constant 0 : i32
      %dma_wait3A_444 = tpu.memref_slice %arg2[%add3A_109, %dma_wait3A_443] : memref<20480x160xi32, #tpu.memory_space<hbm>> -> memref<10x160xi32, #tpu.memory_space<hbm>>
      tpu.wait_dma2 semaphore(%run_scoped3A : memref<!tpu.dma_semaphore, #tpu.memory_space<semaphore_mem>>) src(%dma_wait3A_444 : memref<10x160xi32, #tpu.memory_space<hbm>>) dst(%arg6 : memref<10x160xi32, #tpu.memory_space<vmem>>)
      tpu.yield
    }) : () -> ()
    %dma_start3A_110 = arith.constant 0 : i32
    %dma_start3A_111 = arith.constant 0 : i32
    %dma_start3A_112 = arith.constant 0 : i32
    %dma_start3A_113 = tpu.memref_slice %arg8[%dma_start3A_111, %dma_start3A_112] : memref<1600x32xf32, #tpu.memory_space<vmem>> -> memref<160x32xf32, #tpu.memory_space<vmem>>
    %dma_start3A_114 = arith.constant 0 : i32
    %dma_start3A_115 = tpu.memref_slice %arg6[%dma_start3A_110, %dma_start3A_114] : memref<10x160xi32, #tpu.memory_space<vmem>> -> memref<1x160xi32, #tpu.memory_space<vmem>>
    %dma_start3A_116 = tpu.memref_squeeze %dma_start3A_115 : memref<1x160xi32, #tpu.memory_space<vmem>> -> memref<160xi32, #tpu.memory_space<vmem>>
    %dma_start3A_117 = arith.constant 0 : i32
    %dma_start3A_118 = arith.constant 0 : i32
    %dma_start3A_119 = tpu.memref_slice %arg3[%dma_start3A_117, %dma_start3A_118] : memref<100000x32xf32, #tpu.memory_space<hbm>> -> memref<100000x32xf32, #tpu.memory_space<hbm>>
    tpu.enqueue_indirect_dma source(%dma_start3A_119 : memref<100000x32xf32, #tpu.memory_space<hbm>>) target(%dma_start3A_113 : memref<160x32xf32, #tpu.memory_space<vmem>>) offsets(%dma_start3A_116 : memref<160xi32, #tpu.memory_space<vmem>>) semaphore(%arg10 : memref<!tpu.dma_semaphore, #tpu.memory_space<semaphore_mem>>)
    %dma_start3A_120 = arith.constant 1 : i32
    %dma_start3A_121 = arith.constant 160 : i32
    %dma_start3A_122 = arith.constant 0 : i32
    %dma_start3A_123 = tpu.memref_slice %arg8[%dma_start3A_121, %dma_start3A_122] : memref<1600x32xf32, #tpu.memory_space<vmem>> -> memref<160x32xf32, #tpu.memory_space<vmem>>
    %dma_start3A_124 = arith.constant 0 : i32
    %dma_start3A_125 = tpu.memref_slice %arg6[%dma_start3A_120, %dma_start3A_124] : memref<10x160xi32, #tpu.memory_space<vmem>> -> memref<1x160xi32, #tpu.memory_space<vmem>>
    %dma_start3A_126 = tpu.memref_squeeze %dma_start3A_125 : memref<1x160xi32, #tpu.memory_space<vmem>> -> memref<160xi32, #tpu.memory_space<vmem>>
    %dma_start3A_127 = arith.constant 0 : i32
    %dma_start3A_128 = arith.constant 0 : i32
    %dma_start3A_129 = tpu.memref_slice %arg3[%dma_start3A_127, %dma_start3A_128] : memref<100000x32xf32, #tpu.memory_space<hbm>> -> memref<100000x32xf32, #tpu.memory_space<hbm>>
    tpu.enqueue_indirect_dma source(%dma_start3A_129 : memref<100000x32xf32, #tpu.memory_space<hbm>>) target(%dma_start3A_123 : memref<160x32xf32, #tpu.memory_space<vmem>>) offsets(%dma_start3A_126 : memref<160xi32, #tpu.memory_space<vmem>>) semaphore(%arg10 : memref<!tpu.dma_semaphore, #tpu.memory_space<semaphore_mem>>)
    %dma_start3A_130 = arith.constant 2 : i32
    %dma_start3A_131 = arith.constant 320 : i32
    %dma_start3A_132 = arith.constant 0 : i32
    %dma_start3A_133 = tpu.memref_slice %arg8[%dma_start3A_131, %dma_start3A_132] : memref<1600x32xf32, #tpu.memory_space<vmem>> -> memref<160x32xf32, #tpu.memory_space<vmem>>
    %dma_start3A_134 = arith.constant 0 : i32
    %dma_start3A_135 = tpu.memref_slice %arg6[%dma_start3A_130, %dma_start3A_134] : memref<10x160xi32, #tpu.memory_space<vmem>> -> memref<1x160xi32, #tpu.memory_space<vmem>>
    %dma_start3A_136 = tpu.memref_squeeze %dma_start3A_135 : memref<1x160xi32, #tpu.memory_space<vmem>> -> memref<160xi32, #tpu.memory_space<vmem>>
    %dma_start3A_137 = arith.constant 0 : i32
    %dma_start3A_138 = arith.constant 0 : i32
    %dma_start3A_139 = tpu.memref_slice %arg3[%dma_start3A_137, %dma_start3A_138] : memref<100000x32xf32, #tpu.memory_space<hbm>> -> memref<100000x32xf32, #tpu.memory_space<hbm>>
    tpu.enqueue_indirect_dma source(%dma_start3A_139 : memref<100000x32xf32, #tpu.memory_space<hbm>>) target(%dma_start3A_133 : memref<160x32xf32, #tpu.memory_space<vmem>>) offsets(%dma_start3A_136 : memref<160xi32, #tpu.memory_space<vmem>>) semaphore(%arg10 : memref<!tpu.dma_semaphore, #tpu.memory_space<semaphore_mem>>)
    %dma_start3A_140 = arith.constant 3 : i32
    %dma_start3A_141 = arith.constant 480 : i32
    %dma_start3A_142 = arith.constant 0 : i32
    %dma_start3A_143 = tpu.memref_slice %arg8[%dma_start3A_141, %dma_start3A_142] : memref<1600x32xf32, #tpu.memory_space<vmem>> -> memref<160x32xf32, #tpu.memory_space<vmem>>
    %dma_start3A_144 = arith.constant 0 : i32
    %dma_start3A_145 = tpu.memref_slice %arg6[%dma_start3A_140, %dma_start3A_144] : memref<10x160xi32, #tpu.memory_space<vmem>> -> memref<1x160xi32, #tpu.memory_space<vmem>>
    %dma_start3A_146 = tpu.memref_squeeze %dma_start3A_145 : memref<1x160xi32, #tpu.memory_space<vmem>> -> memref<160xi32, #tpu.memory_space<vmem>>
    %dma_start3A_147 = arith.constant 0 : i32
    %dma_start3A_148 = arith.constant 0 : i32
    %dma_start3A_149 = tpu.memref_slice %arg3[%dma_start3A_147, %dma_start3A_148] : memref<100000x32xf32, #tpu.memory_space<hbm>> -> memref<100000x32xf32, #tpu.memory_space<hbm>>
    tpu.enqueue_indirect_dma source(%dma_start3A_149 : memref<100000x32xf32, #tpu.memory_space<hbm>>) target(%dma_start3A_143 : memref<160x32xf32, #tpu.memory_space<vmem>>) offsets(%dma_start3A_146 : memref<160xi32, #tpu.memory_space<vmem>>) semaphore(%arg10 : memref<!tpu.dma_semaphore, #tpu.memory_space<semaphore_mem>>)
    %dma_start3A_150 = arith.constant 4 : i32
    %dma_start3A_151 = arith.constant 640 : i32
    %dma_start3A_152 = arith.constant 0 : i32
    %dma_start3A_153 = tpu.memref_slice %arg8[%dma_start3A_151, %dma_start3A_152] : memref<1600x32xf32, #tpu.memory_space<vmem>> -> memref<160x32xf32, #tpu.memory_space<vmem>>
    %dma_start3A_154 = arith.constant 0 : i32
    %dma_start3A_155 = tpu.memref_slice %arg6[%dma_start3A_150, %dma_start3A_154] : memref<10x160xi32, #tpu.memory_space<vmem>> -> memref<1x160xi32, #tpu.memory_space<vmem>>
    %dma_start3A_156 = tpu.memref_squeeze %dma_start3A_155 : memref<1x160xi32, #tpu.memory_space<vmem>> -> memref<160xi32, #tpu.memory_space<vmem>>
    %dma_start3A_157 = arith.constant 0 : i32
    %dma_start3A_158 = arith.constant 0 : i32
    %dma_start3A_159 = tpu.memref_slice %arg3[%dma_start3A_157, %dma_start3A_158] : memref<100000x32xf32, #tpu.memory_space<hbm>> -> memref<100000x32xf32, #tpu.memory_space<hbm>>
    tpu.enqueue_indirect_dma source(%dma_start3A_159 : memref<100000x32xf32, #tpu.memory_space<hbm>>) target(%dma_start3A_153 : memref<160x32xf32, #tpu.memory_space<vmem>>) offsets(%dma_start3A_156 : memref<160xi32, #tpu.memory_space<vmem>>) semaphore(%arg10 : memref<!tpu.dma_semaphore, #tpu.memory_space<semaphore_mem>>)
    %dma_start3A_160 = arith.constant 5 : i32
    %dma_start3A_161 = arith.constant 800 : i32
    %dma_start3A_162 = arith.constant 0 : i32
    %dma_start3A_163 = tpu.memref_slice %arg8[%dma_start3A_161, %dma_start3A_162] : memref<1600x32xf32, #tpu.memory_space<vmem>> -> memref<160x32xf32, #tpu.memory_space<vmem>>
    %dma_start3A_164 = arith.constant 0 : i32
    %dma_start3A_165 = tpu.memref_slice %arg6[%dma_start3A_160, %dma_start3A_164] : memref<10x160xi32, #tpu.memory_space<vmem>> -> memref<1x160xi32, #tpu.memory_space<vmem>>
    %dma_start3A_166 = tpu.memref_squeeze %dma_start3A_165 : memref<1x160xi32, #tpu.memory_space<vmem>> -> memref<160xi32, #tpu.memory_space<vmem>>
    %dma_start3A_167 = arith.constant 0 : i32
    %dma_start3A_168 = arith.constant 0 : i32
    %dma_start3A_169 = tpu.memref_slice %arg3[%dma_start3A_167, %dma_start3A_168] : memref<100000x32xf32, #tpu.memory_space<hbm>> -> memref<100000x32xf32, #tpu.memory_space<hbm>>
    tpu.enqueue_indirect_dma source(%dma_start3A_169 : memref<100000x32xf32, #tpu.memory_space<hbm>>) target(%dma_start3A_163 : memref<160x32xf32, #tpu.memory_space<vmem>>) offsets(%dma_start3A_166 : memref<160xi32, #tpu.memory_space<vmem>>) semaphore(%arg10 : memref<!tpu.dma_semaphore, #tpu.memory_space<semaphore_mem>>)
    %dma_start3A_170 = arith.constant 6 : i32
    %dma_start3A_171 = arith.constant 960 : i32
    %dma_start3A_172 = arith.constant 0 : i32
    %dma_start3A_173 = tpu.memref_slice %arg8[%dma_start3A_171, %dma_start3A_172] : memref<1600x32xf32, #tpu.memory_space<vmem>> -> memref<160x32xf32, #tpu.memory_space<vmem>>
    %dma_start3A_174 = arith.constant 0 : i32
    %dma_start3A_175 = tpu.memref_slice %arg6[%dma_start3A_170, %dma_start3A_174] : memref<10x160xi32, #tpu.memory_space<vmem>> -> memref<1x160xi32, #tpu.memory_space<vmem>>
    %dma_start3A_176 = tpu.memref_squeeze %dma_start3A_175 : memref<1x160xi32, #tpu.memory_space<vmem>> -> memref<160xi32, #tpu.memory_space<vmem>>
    %dma_start3A_177 = arith.constant 0 : i32
    %dma_start3A_178 = arith.constant 0 : i32
    %dma_start3A_179 = tpu.memref_slice %arg3[%dma_start3A_177, %dma_start3A_178] : memref<100000x32xf32, #tpu.memory_space<hbm>> -> memref<100000x32xf32, #tpu.memory_space<hbm>>
    tpu.enqueue_indirect_dma source(%dma_start3A_179 : memref<100000x32xf32, #tpu.memory_space<hbm>>) target(%dma_start3A_173 : memref<160x32xf32, #tpu.memory_space<vmem>>) offsets(%dma_start3A_176 : memref<160xi32, #tpu.memory_space<vmem>>) semaphore(%arg10 : memref<!tpu.dma_semaphore, #tpu.memory_space<semaphore_mem>>)
    %dma_start3A_180 = arith.constant 7 : i32
    %dma_start3A_181 = arith.constant 1120 : i32
    %dma_start3A_182 = arith.constant 0 : i32
    %dma_start3A_183 = tpu.memref_slice %arg8[%dma_start3A_181, %dma_start3A_182] : memref<1600x32xf32, #tpu.memory_space<vmem>> -> memref<160x32xf32, #tpu.memory_space<vmem>>
    %dma_start3A_184 = arith.constant 0 : i32
    %dma_start3A_185 = tpu.memref_slice %arg6[%dma_start3A_180, %dma_start3A_184] : memref<10x160xi32, #tpu.memory_space<vmem>> -> memref<1x160xi32, #tpu.memory_space<vmem>>
    %dma_start3A_186 = tpu.memref_squeeze %dma_start3A_185 : memref<1x160xi32, #tpu.memory_space<vmem>> -> memref<160xi32, #tpu.memory_space<vmem>>
    %dma_start3A_187 = arith.constant 0 : i32
    %dma_start3A_188 = arith.constant 0 : i32
    %dma_start3A_189 = tpu.memref_slice %arg3[%dma_start3A_187, %dma_start3A_188] : memref<100000x32xf32, #tpu.memory_space<hbm>> -> memref<100000x32xf32, #tpu.memory_space<hbm>>
    tpu.enqueue_indirect_dma source(%dma_start3A_189 : memref<100000x32xf32, #tpu.memory_space<hbm>>) target(%dma_start3A_183 : memref<160x32xf32, #tpu.memory_space<vmem>>) offsets(%dma_start3A_186 : memref<160xi32, #tpu.memory_space<vmem>>) semaphore(%arg10 : memref<!tpu.dma_semaphore, #tpu.memory_space<semaphore_mem>>)
    %dma_start3A_190 = arith.constant 8 : i32
    %dma_start3A_191 = arith.constant 1280 : i32
    %dma_start3A_192 = arith.constant 0 : i32
    %dma_start3A_193 = tpu.memref_slice %arg8[%dma_start3A_191, %dma_start3A_192] : memref<1600x32xf32, #tpu.memory_space<vmem>> -> memref<160x32xf32, #tpu.memory_space<vmem>>
    %dma_start3A_194 = arith.constant 0 : i32
    %dma_start3A_195 = tpu.memref_slice %arg6[%dma_start3A_190, %dma_start3A_194] : memref<10x160xi32, #tpu.memory_space<vmem>> -> memref<1x160xi32, #tpu.memory_space<vmem>>
    %dma_start3A_196 = tpu.memref_squeeze %dma_start3A_195 : memref<1x160xi32, #tpu.memory_space<vmem>> -> memref<160xi32, #tpu.memory_space<vmem>>
    %dma_start3A_197 = arith.constant 0 : i32
    %dma_start3A_198 = arith.constant 0 : i32
    %dma_start3A_199 = tpu.memref_slice %arg3[%dma_start3A_197, %dma_start3A_198] : memref<100000x32xf32, #tpu.memory_space<hbm>> -> memref<100000x32xf32, #tpu.memory_space<hbm>>
    tpu.enqueue_indirect_dma source(%dma_start3A_199 : memref<100000x32xf32, #tpu.memory_space<hbm>>) target(%dma_start3A_193 : memref<160x32xf32, #tpu.memory_space<vmem>>) offsets(%dma_start3A_196 : memref<160xi32, #tpu.memory_space<vmem>>) semaphore(%arg10 : memref<!tpu.dma_semaphore, #tpu.memory_space<semaphore_mem>>)
    %dma_start3A_200 = arith.constant 9 : i32
    %dma_start3A_201 = arith.constant 1440 : i32
    %dma_start3A_202 = arith.constant 0 : i32
    %dma_start3A_203 = tpu.memref_slice %arg8[%dma_start3A_201, %dma_start3A_202] : memref<1600x32xf32, #tpu.memory_space<vmem>> -> memref<160x32xf32, #tpu.memory_space<vmem>>
    %dma_start3A_204 = arith.constant 0 : i32
    %dma_start3A_205 = tpu.memref_slice %arg6[%dma_start3A_200, %dma_start3A_204] : memref<10x160xi32, #tpu.memory_space<vmem>> -> memref<1x160xi32, #tpu.memory_space<vmem>>
    %dma_start3A_206 = tpu.memref_squeeze %dma_start3A_205 : memref<1x160xi32, #tpu.memory_space<vmem>> -> memref<160xi32, #tpu.memory_space<vmem>>
    %dma_start3A_207 = arith.constant 0 : i32
    %dma_start3A_208 = arith.constant 0 : i32
    %dma_start3A_209 = tpu.memref_slice %arg3[%dma_start3A_207, %dma_start3A_208] : memref<100000x32xf32, #tpu.memory_space<hbm>> -> memref<100000x32xf32, #tpu.memory_space<hbm>>
    tpu.enqueue_indirect_dma source(%dma_start3A_209 : memref<100000x32xf32, #tpu.memory_space<hbm>>) target(%dma_start3A_203 : memref<160x32xf32, #tpu.memory_space<vmem>>) offsets(%dma_start3A_206 : memref<160xi32, #tpu.memory_space<vmem>>) semaphore(%arg10 : memref<!tpu.dma_semaphore, #tpu.memory_space<semaphore_mem>>)
    %dma_wait3A = arith.constant 0 : i32
    %dma_wait3A_210 = arith.constant 0 : i32
    %dma_wait3A_211 = arith.constant 0 : i32
    %dma_wait3A_212 = tpu.memref_slice %arg7[%dma_wait3A_210, %dma_wait3A_211] : memref<1600x32xf32, #tpu.memory_space<vmem>> -> memref<160x32xf32, #tpu.memory_space<vmem>>
    %dma_wait3A_213 = arith.constant 0 : i32
    %dma_wait3A_214 = tpu.memref_slice %arg5[%dma_wait3A, %dma_wait3A_213] : memref<10x160xi32, #tpu.memory_space<vmem>> -> memref<1x160xi32, #tpu.memory_space<vmem>>
    %dma_wait3A_215 = tpu.memref_squeeze %dma_wait3A_214 : memref<1x160xi32, #tpu.memory_space<vmem>> -> memref<160xi32, #tpu.memory_space<vmem>>
    %dma_wait3A_216 = arith.constant 0 : i32
    %dma_wait3A_217 = arith.constant 0 : i32
    %dma_wait3A_218 = tpu.memref_slice %arg3[%dma_wait3A_216, %dma_wait3A_217] : memref<100000x32xf32, #tpu.memory_space<hbm>> -> memref<100000x32xf32, #tpu.memory_space<hbm>>
    tpu.wait_indirect_dma semaphore(%arg9 : memref<!tpu.dma_semaphore, #tpu.memory_space<semaphore_mem>>) src(%dma_wait3A_218 : memref<100000x32xf32, #tpu.memory_space<hbm>>) dst(%dma_wait3A_212 : memref<160x32xf32, #tpu.memory_space<vmem>>)
    %dma_wait3A_219 = arith.constant 1 : i32
    %dma_wait3A_220 = arith.constant 160 : i32
    %dma_wait3A_221 = arith.constant 0 : i32
    %dma_wait3A_222 = tpu.memref_slice %arg7[%dma_wait3A_220, %dma_wait3A_221] : memref<1600x32xf32, #tpu.memory_space<vmem>> -> memref<160x32xf32, #tpu.memory_space<vmem>>
    %dma_wait3A_223 = arith.constant 0 : i32
    %dma_wait3A_224 = tpu.memref_slice %arg5[%dma_wait3A_219, %dma_wait3A_223] : memref<10x160xi32, #tpu.memory_space<vmem>> -> memref<1x160xi32, #tpu.memory_space<vmem>>
    %dma_wait3A_225 = tpu.memref_squeeze %dma_wait3A_224 : memref<1x160xi32, #tpu.memory_space<vmem>> -> memref<160xi32, #tpu.memory_space<vmem>>
    %dma_wait3A_226 = arith.constant 0 : i32
    %dma_wait3A_227 = arith.constant 0 : i32
    %dma_wait3A_228 = tpu.memref_slice %arg3[%dma_wait3A_226, %dma_wait3A_227] : memref<100000x32xf32, #tpu.memory_space<hbm>> -> memref<100000x32xf32, #tpu.memory_space<hbm>>
    tpu.wait_indirect_dma semaphore(%arg9 : memref<!tpu.dma_semaphore, #tpu.memory_space<semaphore_mem>>) src(%dma_wait3A_228 : memref<100000x32xf32, #tpu.memory_space<hbm>>) dst(%dma_wait3A_222 : memref<160x32xf32, #tpu.memory_space<vmem>>)
    %dma_wait3A_229 = arith.constant 2 : i32
    %dma_wait3A_230 = arith.constant 320 : i32
    %dma_wait3A_231 = arith.constant 0 : i32
    %dma_wait3A_232 = tpu.memref_slice %arg7[%dma_wait3A_230, %dma_wait3A_231] : memref<1600x32xf32, #tpu.memory_space<vmem>> -> memref<160x32xf32, #tpu.memory_space<vmem>>
    %dma_wait3A_233 = arith.constant 0 : i32
    %dma_wait3A_234 = tpu.memref_slice %arg5[%dma_wait3A_229, %dma_wait3A_233] : memref<10x160xi32, #tpu.memory_space<vmem>> -> memref<1x160xi32, #tpu.memory_space<vmem>>
    %dma_wait3A_235 = tpu.memref_squeeze %dma_wait3A_234 : memref<1x160xi32, #tpu.memory_space<vmem>> -> memref<160xi32, #tpu.memory_space<vmem>>
    %dma_wait3A_236 = arith.constant 0 : i32
    %dma_wait3A_237 = arith.constant 0 : i32
    %dma_wait3A_238 = tpu.memref_slice %arg3[%dma_wait3A_236, %dma_wait3A_237] : memref<100000x32xf32, #tpu.memory_space<hbm>> -> memref<100000x32xf32, #tpu.memory_space<hbm>>
    tpu.wait_indirect_dma semaphore(%arg9 : memref<!tpu.dma_semaphore, #tpu.memory_space<semaphore_mem>>) src(%dma_wait3A_238 : memref<100000x32xf32, #tpu.memory_space<hbm>>) dst(%dma_wait3A_232 : memref<160x32xf32, #tpu.memory_space<vmem>>)
    %dma_wait3A_239 = arith.constant 3 : i32
    %dma_wait3A_240 = arith.constant 480 : i32
    %dma_wait3A_241 = arith.constant 0 : i32
    %dma_wait3A_242 = tpu.memref_slice %arg7[%dma_wait3A_240, %dma_wait3A_241] : memref<1600x32xf32, #tpu.memory_space<vmem>> -> memref<160x32xf32, #tpu.memory_space<vmem>>
    %dma_wait3A_243 = arith.constant 0 : i32
    %dma_wait3A_244 = tpu.memref_slice %arg5[%dma_wait3A_239, %dma_wait3A_243] : memref<10x160xi32, #tpu.memory_space<vmem>> -> memref<1x160xi32, #tpu.memory_space<vmem>>
    %dma_wait3A_245 = tpu.memref_squeeze %dma_wait3A_244 : memref<1x160xi32, #tpu.memory_space<vmem>> -> memref<160xi32, #tpu.memory_space<vmem>>
    %dma_wait3A_246 = arith.constant 0 : i32
    %dma_wait3A_247 = arith.constant 0 : i32
    %dma_wait3A_248 = tpu.memref_slice %arg3[%dma_wait3A_246, %dma_wait3A_247] : memref<100000x32xf32, #tpu.memory_space<hbm>> -> memref<100000x32xf32, #tpu.memory_space<hbm>>
    tpu.wait_indirect_dma semaphore(%arg9 : memref<!tpu.dma_semaphore, #tpu.memory_space<semaphore_mem>>) src(%dma_wait3A_248 : memref<100000x32xf32, #tpu.memory_space<hbm>>) dst(%dma_wait3A_242 : memref<160x32xf32, #tpu.memory_space<vmem>>)
    %dma_wait3A_249 = arith.constant 4 : i32
    %dma_wait3A_250 = arith.constant 640 : i32
    %dma_wait3A_251 = arith.constant 0 : i32
    %dma_wait3A_252 = tpu.memref_slice %arg7[%dma_wait3A_250, %dma_wait3A_251] : memref<1600x32xf32, #tpu.memory_space<vmem>> -> memref<160x32xf32, #tpu.memory_space<vmem>>
    %dma_wait3A_253 = arith.constant 0 : i32
    %dma_wait3A_254 = tpu.memref_slice %arg5[%dma_wait3A_249, %dma_wait3A_253] : memref<10x160xi32, #tpu.memory_space<vmem>> -> memref<1x160xi32, #tpu.memory_space<vmem>>
    %dma_wait3A_255 = tpu.memref_squeeze %dma_wait3A_254 : memref<1x160xi32, #tpu.memory_space<vmem>> -> memref<160xi32, #tpu.memory_space<vmem>>
    %dma_wait3A_256 = arith.constant 0 : i32
    %dma_wait3A_257 = arith.constant 0 : i32
    %dma_wait3A_258 = tpu.memref_slice %arg3[%dma_wait3A_256, %dma_wait3A_257] : memref<100000x32xf32, #tpu.memory_space<hbm>> -> memref<100000x32xf32, #tpu.memory_space<hbm>>
    tpu.wait_indirect_dma semaphore(%arg9 : memref<!tpu.dma_semaphore, #tpu.memory_space<semaphore_mem>>) src(%dma_wait3A_258 : memref<100000x32xf32, #tpu.memory_space<hbm>>) dst(%dma_wait3A_252 : memref<160x32xf32, #tpu.memory_space<vmem>>)
    %dma_wait3A_259 = arith.constant 5 : i32
    %dma_wait3A_260 = arith.constant 800 : i32
    %dma_wait3A_261 = arith.constant 0 : i32
    %dma_wait3A_262 = tpu.memref_slice %arg7[%dma_wait3A_260, %dma_wait3A_261] : memref<1600x32xf32, #tpu.memory_space<vmem>> -> memref<160x32xf32, #tpu.memory_space<vmem>>
    %dma_wait3A_263 = arith.constant 0 : i32
    %dma_wait3A_264 = tpu.memref_slice %arg5[%dma_wait3A_259, %dma_wait3A_263] : memref<10x160xi32, #tpu.memory_space<vmem>> -> memref<1x160xi32, #tpu.memory_space<vmem>>
    %dma_wait3A_265 = tpu.memref_squeeze %dma_wait3A_264 : memref<1x160xi32, #tpu.memory_space<vmem>> -> memref<160xi32, #tpu.memory_space<vmem>>
    %dma_wait3A_266 = arith.constant 0 : i32
    %dma_wait3A_267 = arith.constant 0 : i32
    %dma_wait3A_268 = tpu.memref_slice %arg3[%dma_wait3A_266, %dma_wait3A_267] : memref<100000x32xf32, #tpu.memory_space<hbm>> -> memref<100000x32xf32, #tpu.memory_space<hbm>>
    tpu.wait_indirect_dma semaphore(%arg9 : memref<!tpu.dma_semaphore, #tpu.memory_space<semaphore_mem>>) src(%dma_wait3A_268 : memref<100000x32xf32, #tpu.memory_space<hbm>>) dst(%dma_wait3A_262 : memref<160x32xf32, #tpu.memory_space<vmem>>)
    %dma_wait3A_269 = arith.constant 6 : i32
    %dma_wait3A_270 = arith.constant 960 : i32
    %dma_wait3A_271 = arith.constant 0 : i32
    %dma_wait3A_272 = tpu.memref_slice %arg7[%dma_wait3A_270, %dma_wait3A_271] : memref<1600x32xf32, #tpu.memory_space<vmem>> -> memref<160x32xf32, #tpu.memory_space<vmem>>
    %dma_wait3A_273 = arith.constant 0 : i32
    %dma_wait3A_274 = tpu.memref_slice %arg5[%dma_wait3A_269, %dma_wait3A_273] : memref<10x160xi32, #tpu.memory_space<vmem>> -> memref<1x160xi32, #tpu.memory_space<vmem>>
    %dma_wait3A_275 = tpu.memref_squeeze %dma_wait3A_274 : memref<1x160xi32, #tpu.memory_space<vmem>> -> memref<160xi32, #tpu.memory_space<vmem>>
    %dma_wait3A_276 = arith.constant 0 : i32
    %dma_wait3A_277 = arith.constant 0 : i32
    %dma_wait3A_278 = tpu.memref_slice %arg3[%dma_wait3A_276, %dma_wait3A_277] : memref<100000x32xf32, #tpu.memory_space<hbm>> -> memref<100000x32xf32, #tpu.memory_space<hbm>>
    tpu.wait_indirect_dma semaphore(%arg9 : memref<!tpu.dma_semaphore, #tpu.memory_space<semaphore_mem>>) src(%dma_wait3A_278 : memref<100000x32xf32, #tpu.memory_space<hbm>>) dst(%dma_wait3A_272 : memref<160x32xf32, #tpu.memory_space<vmem>>)
    %dma_wait3A_279 = arith.constant 7 : i32
    %dma_wait3A_280 = arith.constant 1120 : i32
    %dma_wait3A_281 = arith.constant 0 : i32
    %dma_wait3A_282 = tpu.memref_slice %arg7[%dma_wait3A_280, %dma_wait3A_281] : memref<1600x32xf32, #tpu.memory_space<vmem>> -> memref<160x32xf32, #tpu.memory_space<vmem>>
    %dma_wait3A_283 = arith.constant 0 : i32
    %dma_wait3A_284 = tpu.memref_slice %arg5[%dma_wait3A_279, %dma_wait3A_283] : memref<10x160xi32, #tpu.memory_space<vmem>> -> memref<1x160xi32, #tpu.memory_space<vmem>>
    %dma_wait3A_285 = tpu.memref_squeeze %dma_wait3A_284 : memref<1x160xi32, #tpu.memory_space<vmem>> -> memref<160xi32, #tpu.memory_space<vmem>>
    %dma_wait3A_286 = arith.constant 0 : i32
    %dma_wait3A_287 = arith.constant 0 : i32
    %dma_wait3A_288 = tpu.memref_slice %arg3[%dma_wait3A_286, %dma_wait3A_287] : memref<100000x32xf32, #tpu.memory_space<hbm>> -> memref<100000x32xf32, #tpu.memory_space<hbm>>
    tpu.wait_indirect_dma semaphore(%arg9 : memref<!tpu.dma_semaphore, #tpu.memory_space<semaphore_mem>>) src(%dma_wait3A_288 : memref<100000x32xf32, #tpu.memory_space<hbm>>) dst(%dma_wait3A_282 : memref<160x32xf32, #tpu.memory_space<vmem>>)
    %dma_wait3A_289 = arith.constant 8 : i32
    %dma_wait3A_290 = arith.constant 1280 : i32
    %dma_wait3A_291 = arith.constant 0 : i32
    %dma_wait3A_292 = tpu.memref_slice %arg7[%dma_wait3A_290, %dma_wait3A_291] : memref<1600x32xf32, #tpu.memory_space<vmem>> -> memref<160x32xf32, #tpu.memory_space<vmem>>
    %dma_wait3A_293 = arith.constant 0 : i32
    %dma_wait3A_294 = tpu.memref_slice %arg5[%dma_wait3A_289, %dma_wait3A_293] : memref<10x160xi32, #tpu.memory_space<vmem>> -> memref<1x160xi32, #tpu.memory_space<vmem>>
    %dma_wait3A_295 = tpu.memref_squeeze %dma_wait3A_294 : memref<1x160xi32, #tpu.memory_space<vmem>> -> memref<160xi32, #tpu.memory_space<vmem>>
    %dma_wait3A_296 = arith.constant 0 : i32
    %dma_wait3A_297 = arith.constant 0 : i32
    %dma_wait3A_298 = tpu.memref_slice %arg3[%dma_wait3A_296, %dma_wait3A_297] : memref<100000x32xf32, #tpu.memory_space<hbm>> -> memref<100000x32xf32, #tpu.memory_space<hbm>>
    tpu.wait_indirect_dma semaphore(%arg9 : memref<!tpu.dma_semaphore, #tpu.memory_space<semaphore_mem>>) src(%dma_wait3A_298 : memref<100000x32xf32, #tpu.memory_space<hbm>>) dst(%dma_wait3A_292 : memref<160x32xf32, #tpu.memory_space<vmem>>)
    %dma_wait3A_299 = arith.constant 9 : i32
    %dma_wait3A_300 = arith.constant 1440 : i32
    %dma_wait3A_301 = arith.constant 0 : i32
    %dma_wait3A_302 = tpu.memref_slice %arg7[%dma_wait3A_300, %dma_wait3A_301] : memref<1600x32xf32, #tpu.memory_space<vmem>> -> memref<160x32xf32, #tpu.memory_space<vmem>>
    %dma_wait3A_303 = arith.constant 0 : i32
    %dma_wait3A_304 = tpu.memref_slice %arg5[%dma_wait3A_299, %dma_wait3A_303] : memref<10x160xi32, #tpu.memory_space<vmem>> -> memref<1x160xi32, #tpu.memory_space<vmem>>
    %dma_wait3A_305 = tpu.memref_squeeze %dma_wait3A_304 : memref<1x160xi32, #tpu.memory_space<vmem>> -> memref<160xi32, #tpu.memory_space<vmem>>
    %dma_wait3A_306 = arith.constant 0 : i32
    %dma_wait3A_307 = arith.constant 0 : i32
    %dma_wait3A_308 = tpu.memref_slice %arg3[%dma_wait3A_306, %dma_wait3A_307] : memref<100000x32xf32, #tpu.memory_space<hbm>> -> memref<100000x32xf32, #tpu.memory_space<hbm>>
    tpu.wait_indirect_dma semaphore(%arg9 : memref<!tpu.dma_semaphore, #tpu.memory_space<semaphore_mem>>) src(%dma_wait3A_308 : memref<100000x32xf32, #tpu.memory_space<hbm>>) dst(%dma_wait3A_302 : memref<160x32xf32, #tpu.memory_space<vmem>>)
    %add3A_309 = arith.constant 0 : i32
    %add3A_310 = arith.addi %mul3A_6, %add3A_309 : i32
    %dma_start3A_311 = arith.constant 0 : i32
    %dma_start3A_312 = tpu.memref_slice %arg4[%add3A_310, %dma_start3A_311] : memref<3276800x128xf32, #tpu.memory_space<hbm>> -> memref<1600x32xf32, #tpu.memory_space<hbm>>
    %dma_start3A_313 = arith.constant 0 : i32
    %dma_start3A_314 = tpu.memref_slice %arg4[%add3A_310, %dma_start3A_313] : memref<3276800x128xf32, #tpu.memory_space<hbm>> -> memref<1600x32xf32, #tpu.memory_space<hbm>>
    tpu.enqueue_dma source(%arg7 : memref<1600x32xf32, #tpu.memory_space<vmem>>) target(%dma_start3A_314 : memref<1600x32xf32, #tpu.memory_space<hbm>>) target_semaphore(%arg11 : memref<!tpu.dma_semaphore, #tpu.memory_space<semaphore_mem>>)
    %dma_wait3A_315 = arith.constant 0 : i32
    %dma_wait3A_316 = arith.constant 0 : i32
    %dma_wait3A_317 = arith.constant 0 : i32
    %dma_wait3A_318 = tpu.memref_slice %arg8[%dma_wait3A_316, %dma_wait3A_317] : memref<1600x32xf32, #tpu.memory_space<vmem>> -> memref<160x32xf32, #tpu.memory_space<vmem>>
    %dma_wait3A_319 = arith.constant 0 : i32
    %dma_wait3A_320 = tpu.memref_slice %arg6[%dma_wait3A_315, %dma_wait3A_319] : memref<10x160xi32, #tpu.memory_space<vmem>> -> memref<1x160xi32, #tpu.memory_space<vmem>>
    %dma_wait3A_321 = tpu.memref_squeeze %dma_wait3A_320 : memref<1x160xi32, #tpu.memory_space<vmem>> -> memref<160xi32, #tpu.memory_space<vmem>>
    %dma_wait3A_322 = arith.constant 0 : i32
    %dma_wait3A_323 = arith.constant 0 : i32
    %dma_wait3A_324 = tpu.memref_slice %arg3[%dma_wait3A_322, %dma_wait3A_323] : memref<100000x32xf32, #tpu.memory_space<hbm>> -> memref<100000x32xf32, #tpu.memory_space<hbm>>
    tpu.wait_indirect_dma semaphore(%arg10 : memref<!tpu.dma_semaphore, #tpu.memory_space<semaphore_mem>>) src(%dma_wait3A_324 : memref<100000x32xf32, #tpu.memory_space<hbm>>) dst(%dma_wait3A_318 : memref<160x32xf32, #tpu.memory_space<vmem>>)
    %dma_wait3A_325 = arith.constant 1 : i32
    %dma_wait3A_326 = arith.constant 160 : i32
    %dma_wait3A_327 = arith.constant 0 : i32
    %dma_wait3A_328 = tpu.memref_slice %arg8[%dma_wait3A_326, %dma_wait3A_327] : memref<1600x32xf32, #tpu.memory_space<vmem>> -> memref<160x32xf32, #tpu.memory_space<vmem>>
    %dma_wait3A_329 = arith.constant 0 : i32
    %dma_wait3A_330 = tpu.memref_slice %arg6[%dma_wait3A_325, %dma_wait3A_329] : memref<10x160xi32, #tpu.memory_space<vmem>> -> memref<1x160xi32, #tpu.memory_space<vmem>>
    %dma_wait3A_331 = tpu.memref_squeeze %dma_wait3A_330 : memref<1x160xi32, #tpu.memory_space<vmem>> -> memref<160xi32, #tpu.memory_space<vmem>>
    %dma_wait3A_332 = arith.constant 0 : i32
    %dma_wait3A_333 = arith.constant 0 : i32
    %dma_wait3A_334 = tpu.memref_slice %arg3[%dma_wait3A_332, %dma_wait3A_333] : memref<100000x32xf32, #tpu.memory_space<hbm>> -> memref<100000x32xf32, #tpu.memory_space<hbm>>
    tpu.wait_indirect_dma semaphore(%arg10 : memref<!tpu.dma_semaphore, #tpu.memory_space<semaphore_mem>>) src(%dma_wait3A_334 : memref<100000x32xf32, #tpu.memory_space<hbm>>) dst(%dma_wait3A_328 : memref<160x32xf32, #tpu.memory_space<vmem>>)
    %dma_wait3A_335 = arith.constant 2 : i32
    %dma_wait3A_336 = arith.constant 320 : i32
    %dma_wait3A_337 = arith.constant 0 : i32
    %dma_wait3A_338 = tpu.memref_slice %arg8[%dma_wait3A_336, %dma_wait3A_337] : memref<1600x32xf32, #tpu.memory_space<vmem>> -> memref<160x32xf32, #tpu.memory_space<vmem>>
    %dma_wait3A_339 = arith.constant 0 : i32
    %dma_wait3A_340 = tpu.memref_slice %arg6[%dma_wait3A_335, %dma_wait3A_339] : memref<10x160xi32, #tpu.memory_space<vmem>> -> memref<1x160xi32, #tpu.memory_space<vmem>>
    %dma_wait3A_341 = tpu.memref_squeeze %dma_wait3A_340 : memref<1x160xi32, #tpu.memory_space<vmem>> -> memref<160xi32, #tpu.memory_space<vmem>>
    %dma_wait3A_342 = arith.constant 0 : i32
    %dma_wait3A_343 = arith.constant 0 : i32
    %dma_wait3A_344 = tpu.memref_slice %arg3[%dma_wait3A_342, %dma_wait3A_343] : memref<100000x32xf32, #tpu.memory_space<hbm>> -> memref<100000x32xf32, #tpu.memory_space<hbm>>
    tpu.wait_indirect_dma semaphore(%arg10 : memref<!tpu.dma_semaphore, #tpu.memory_space<semaphore_mem>>) src(%dma_wait3A_344 : memref<100000x32xf32, #tpu.memory_space<hbm>>) dst(%dma_wait3A_338 : memref<160x32xf32, #tpu.memory_space<vmem>>)
    %dma_wait3A_345 = arith.constant 3 : i32
    %dma_wait3A_346 = arith.constant 480 : i32
    %dma_wait3A_347 = arith.constant 0 : i32
    %dma_wait3A_348 = tpu.memref_slice %arg8[%dma_wait3A_346, %dma_wait3A_347] : memref<1600x32xf32, #tpu.memory_space<vmem>> -> memref<160x32xf32, #tpu.memory_space<vmem>>
    %dma_wait3A_349 = arith.constant 0 : i32
    %dma_wait3A_350 = tpu.memref_slice %arg6[%dma_wait3A_345, %dma_wait3A_349] : memref<10x160xi32, #tpu.memory_space<vmem>> -> memref<1x160xi32, #tpu.memory_space<vmem>>
    %dma_wait3A_351 = tpu.memref_squeeze %dma_wait3A_350 : memref<1x160xi32, #tpu.memory_space<vmem>> -> memref<160xi32, #tpu.memory_space<vmem>>
    %dma_wait3A_352 = arith.constant 0 : i32
    %dma_wait3A_353 = arith.constant 0 : i32
    %dma_wait3A_354 = tpu.memref_slice %arg3[%dma_wait3A_352, %dma_wait3A_353] : memref<100000x32xf32, #tpu.memory_space<hbm>> -> memref<100000x32xf32, #tpu.memory_space<hbm>>
    tpu.wait_indirect_dma semaphore(%arg10 : memref<!tpu.dma_semaphore, #tpu.memory_space<semaphore_mem>>) src(%dma_wait3A_354 : memref<100000x32xf32, #tpu.memory_space<hbm>>) dst(%dma_wait3A_348 : memref<160x32xf32, #tpu.memory_space<vmem>>)
    %dma_wait3A_355 = arith.constant 4 : i32
    %dma_wait3A_356 = arith.constant 640 : i32
    %dma_wait3A_357 = arith.constant 0 : i32
    %dma_wait3A_358 = tpu.memref_slice %arg8[%dma_wait3A_356, %dma_wait3A_357] : memref<1600x32xf32, #tpu.memory_space<vmem>> -> memref<160x32xf32, #tpu.memory_space<vmem>>
    %dma_wait3A_359 = arith.constant 0 : i32
    %dma_wait3A_360 = tpu.memref_slice %arg6[%dma_wait3A_355, %dma_wait3A_359] : memref<10x160xi32, #tpu.memory_space<vmem>> -> memref<1x160xi32, #tpu.memory_space<vmem>>
    %dma_wait3A_361 = tpu.memref_squeeze %dma_wait3A_360 : memref<1x160xi32, #tpu.memory_space<vmem>> -> memref<160xi32, #tpu.memory_space<vmem>>
    %dma_wait3A_362 = arith.constant 0 : i32
    %dma_wait3A_363 = arith.constant 0 : i32
    %dma_wait3A_364 = tpu.memref_slice %arg3[%dma_wait3A_362, %dma_wait3A_363] : memref<100000x32xf32, #tpu.memory_space<hbm>> -> memref<100000x32xf32, #tpu.memory_space<hbm>>
    tpu.wait_indirect_dma semaphore(%arg10 : memref<!tpu.dma_semaphore, #tpu.memory_space<semaphore_mem>>) src(%dma_wait3A_364 : memref<100000x32xf32, #tpu.memory_space<hbm>>) dst(%dma_wait3A_358 : memref<160x32xf32, #tpu.memory_space<vmem>>)
    %dma_wait3A_365 = arith.constant 5 : i32
    %dma_wait3A_366 = arith.constant 800 : i32
    %dma_wait3A_367 = arith.constant 0 : i32
    %dma_wait3A_368 = tpu.memref_slice %arg8[%dma_wait3A_366, %dma_wait3A_367] : memref<1600x32xf32, #tpu.memory_space<vmem>> -> memref<160x32xf32, #tpu.memory_space<vmem>>
    %dma_wait3A_369 = arith.constant 0 : i32
    %dma_wait3A_370 = tpu.memref_slice %arg6[%dma_wait3A_365, %dma_wait3A_369] : memref<10x160xi32, #tpu.memory_space<vmem>> -> memref<1x160xi32, #tpu.memory_space<vmem>>
    %dma_wait3A_371 = tpu.memref_squeeze %dma_wait3A_370 : memref<1x160xi32, #tpu.memory_space<vmem>> -> memref<160xi32, #tpu.memory_space<vmem>>
    %dma_wait3A_372 = arith.constant 0 : i32
    %dma_wait3A_373 = arith.constant 0 : i32
    %dma_wait3A_374 = tpu.memref_slice %arg3[%dma_wait3A_372, %dma_wait3A_373] : memref<100000x32xf32, #tpu.memory_space<hbm>> -> memref<100000x32xf32, #tpu.memory_space<hbm>>
    tpu.wait_indirect_dma semaphore(%arg10 : memref<!tpu.dma_semaphore, #tpu.memory_space<semaphore_mem>>) src(%dma_wait3A_374 : memref<100000x32xf32, #tpu.memory_space<hbm>>) dst(%dma_wait3A_368 : memref<160x32xf32, #tpu.memory_space<vmem>>)
    %dma_wait3A_375 = arith.constant 6 : i32
    %dma_wait3A_376 = arith.constant 960 : i32
    %dma_wait3A_377 = arith.constant 0 : i32
    %dma_wait3A_378 = tpu.memref_slice %arg8[%dma_wait3A_376, %dma_wait3A_377] : memref<1600x32xf32, #tpu.memory_space<vmem>> -> memref<160x32xf32, #tpu.memory_space<vmem>>
    %dma_wait3A_379 = arith.constant 0 : i32
    %dma_wait3A_380 = tpu.memref_slice %arg6[%dma_wait3A_375, %dma_wait3A_379] : memref<10x160xi32, #tpu.memory_space<vmem>> -> memref<1x160xi32, #tpu.memory_space<vmem>>
    %dma_wait3A_381 = tpu.memref_squeeze %dma_wait3A_380 : memref<1x160xi32, #tpu.memory_space<vmem>> -> memref<160xi32, #tpu.memory_space<vmem>>
    %dma_wait3A_382 = arith.constant 0 : i32
    %dma_wait3A_383 = arith.constant 0 : i32
    %dma_wait3A_384 = tpu.memref_slice %arg3[%dma_wait3A_382, %dma_wait3A_383] : memref<100000x32xf32, #tpu.memory_space<hbm>> -> memref<100000x32xf32, #tpu.memory_space<hbm>>
    tpu.wait_indirect_dma semaphore(%arg10 : memref<!tpu.dma_semaphore, #tpu.memory_space<semaphore_mem>>) src(%dma_wait3A_384 : memref<100000x32xf32, #tpu.memory_space<hbm>>) dst(%dma_wait3A_378 : memref<160x32xf32, #tpu.memory_space<vmem>>)
    %dma_wait3A_385 = arith.constant 7 : i32
    %dma_wait3A_386 = arith.constant 1120 : i32
    %dma_wait3A_387 = arith.constant 0 : i32
    %dma_wait3A_388 = tpu.memref_slice %arg8[%dma_wait3A_386, %dma_wait3A_387] : memref<1600x32xf32, #tpu.memory_space<vmem>> -> memref<160x32xf32, #tpu.memory_space<vmem>>
    %dma_wait3A_389 = arith.constant 0 : i32
    %dma_wait3A_390 = tpu.memref_slice %arg6[%dma_wait3A_385, %dma_wait3A_389] : memref<10x160xi32, #tpu.memory_space<vmem>> -> memref<1x160xi32, #tpu.memory_space<vmem>>
    %dma_wait3A_391 = tpu.memref_squeeze %dma_wait3A_390 : memref<1x160xi32, #tpu.memory_space<vmem>> -> memref<160xi32, #tpu.memory_space<vmem>>
    %dma_wait3A_392 = arith.constant 0 : i32
    %dma_wait3A_393 = arith.constant 0 : i32
    %dma_wait3A_394 = tpu.memref_slice %arg3[%dma_wait3A_392, %dma_wait3A_393] : memref<100000x32xf32, #tpu.memory_space<hbm>> -> memref<100000x32xf32, #tpu.memory_space<hbm>>
    tpu.wait_indirect_dma semaphore(%arg10 : memref<!tpu.dma_semaphore, #tpu.memory_space<semaphore_mem>>) src(%dma_wait3A_394 : memref<100000x32xf32, #tpu.memory_space<hbm>>) dst(%dma_wait3A_388 : memref<160x32xf32, #tpu.memory_space<vmem>>)
    %dma_wait3A_395 = arith.constant 8 : i32
    %dma_wait3A_396 = arith.constant 1280 : i32
    %dma_wait3A_397 = arith.constant 0 : i32
    %dma_wait3A_398 = tpu.memref_slice %arg8[%dma_wait3A_396, %dma_wait3A_397] : memref<1600x32xf32, #tpu.memory_space<vmem>> -> memref<160x32xf32, #tpu.memory_space<vmem>>
    %dma_wait3A_399 = arith.constant 0 : i32
    %dma_wait3A_400 = tpu.memref_slice %arg6[%dma_wait3A_395, %dma_wait3A_399] : memref<10x160xi32, #tpu.memory_space<vmem>> -> memref<1x160xi32, #tpu.memory_space<vmem>>
    %dma_wait3A_401 = tpu.memref_squeeze %dma_wait3A_400 : memref<1x160xi32, #tpu.memory_space<vmem>> -> memref<160xi32, #tpu.memory_space<vmem>>
    %dma_wait3A_402 = arith.constant 0 : i32
    %dma_wait3A_403 = arith.constant 0 : i32
    %dma_wait3A_404 = tpu.memref_slice %arg3[%dma_wait3A_402, %dma_wait3A_403] : memref<100000x32xf32, #tpu.memory_space<hbm>> -> memref<100000x32xf32, #tpu.memory_space<hbm>>
    tpu.wait_indirect_dma semaphore(%arg10 : memref<!tpu.dma_semaphore, #tpu.memory_space<semaphore_mem>>) src(%dma_wait3A_404 : memref<100000x32xf32, #tpu.memory_space<hbm>>) dst(%dma_wait3A_398 : memref<160x32xf32, #tpu.memory_space<vmem>>)
    %dma_wait3A_405 = arith.constant 9 : i32
    %dma_wait3A_406 = arith.constant 1440 : i32
    %dma_wait3A_407 = arith.constant 0 : i32
    %dma_wait3A_408 = tpu.memref_slice %arg8[%dma_wait3A_406, %dma_wait3A_407] : memref<1600x32xf32, #tpu.memory_space<vmem>> -> memref<160x32xf32, #tpu.memory_space<vmem>>
    %dma_wait3A_409 = arith.constant 0 : i32
    %dma_wait3A_410 = tpu.memref_slice %arg6[%dma_wait3A_405, %dma_wait3A_409] : memref<10x160xi32, #tpu.memory_space<vmem>> -> memref<1x160xi32, #tpu.memory_space<vmem>>
    %dma_wait3A_411 = tpu.memref_squeeze %dma_wait3A_410 : memref<1x160xi32, #tpu.memory_space<vmem>> -> memref<160xi32, #tpu.memory_space<vmem>>
    %dma_wait3A_412 = arith.constant 0 : i32
    %dma_wait3A_413 = arith.constant 0 : i32
    %dma_wait3A_414 = tpu.memref_slice %arg3[%dma_wait3A_412, %dma_wait3A_413] : memref<100000x32xf32, #tpu.memory_space<hbm>> -> memref<100000x32xf32, #tpu.memory_space<hbm>>
    tpu.wait_indirect_dma semaphore(%arg10 : memref<!tpu.dma_semaphore, #tpu.memory_space<semaphore_mem>>) src(%dma_wait3A_414 : memref<100000x32xf32, #tpu.memory_space<hbm>>) dst(%dma_wait3A_408 : memref<160x32xf32, #tpu.memory_space<vmem>>)
    %add3A_415 = arith.constant 1600 : i32
    %add3A_416 = arith.addi %mul3A_6, %add3A_415 : i32
    %dma_start3A_417 = arith.constant 0 : i32
    %dma_start3A_418 = tpu.memref_slice %arg4[%add3A_416, %dma_start3A_417] : memref<3276800x128xf32, #tpu.memory_space<hbm>> -> memref<1600x32xf32, #tpu.memory_space<hbm>>
    %dma_start3A_419 = arith.constant 0 : i32
    %dma_start3A_420 = tpu.memref_slice %arg4[%add3A_416, %dma_start3A_419] : memref<3276800x128xf32, #tpu.memory_space<hbm>> -> memref<1600x32xf32, #tpu.memory_space<hbm>>
    tpu.enqueue_dma source(%arg8 : memref<1600x32xf32, #tpu.memory_space<vmem>>) target(%dma_start3A_420 : memref<1600x32xf32, #tpu.memory_space<hbm>>) target_semaphore(%arg12 : memref<!tpu.dma_semaphore, #tpu.memory_space<semaphore_mem>>)
    %scan3A = arith.constant 1 : i32
    %scan3A_421 = arith.constant 31 : i32
    %scan3A_422 = arith.addi %scan3A, %scan3A_421 : i32
    %scan3A_423 = arith.constant 1 : i32
    scf.for %scan3A_437 = %scan3A to %scan3A_422 step %scan3A_423  : i32 {
      %mul3A_438 = arith.constant 2 : i32
      %mul3A_439 = arith.muli %mul3A_438, %scan3A_437 : i32
      %add3A_440 = arith.constant 1 : i32
      %add3A_441 = arith.addi %mul3A_439, %add3A_440 : i32
      %mul3A_442 = arith.constant 1600 : i32
      %mul3A_443 = arith.muli %mul3A_439, %mul3A_442 : i32
      %add3A_444 = arith.addi %mul3A_6, %mul3A_443 : i32
      %dma_wait3A_445 = arith.constant 0 : i32
      %dma_wait3A_446 = tpu.memref_slice %arg4[%add3A_444, %dma_wait3A_445] : memref<3276800x128xf32, #tpu.memory_space<hbm>> -> memref<1600x32xf32, #tpu.memory_space<hbm>>
      %dma_wait3A_447 = arith.constant 0 : i32
      %dma_wait3A_448 = tpu.memref_slice %arg4[%add3A_444, %dma_wait3A_447] : memref<3276800x128xf32, #tpu.memory_space<hbm>> -> memref<1600x32xf32, #tpu.memory_space<hbm>>
      tpu.wait_dma2 semaphore(%arg11 : memref<!tpu.dma_semaphore, #tpu.memory_space<semaphore_mem>>) src(%arg7 : memref<1600x32xf32, #tpu.memory_space<vmem>>) dst(%dma_wait3A_448 : memref<1600x32xf32, #tpu.memory_space<hbm>>)
      %mul3A_449 = arith.constant 10 : i32
      %mul3A_450 = arith.muli %mul3A_439, %mul3A_449 : i32
      %add3A_451 = arith.addi %mul3A_2, %mul3A_450 : i32
      "tpu.region"() ({
        %run_scoped3A = tpu.sem_alloc : memref<!tpu.dma_semaphore, #tpu.memory_space<semaphore_mem>>
        %dma_start3A_876 = arith.constant 0 : i32
        %dma_start3A_877 = tpu.memref_slice %arg2[%add3A_451, %dma_start3A_876] : memref<20480x160xi32, #tpu.memory_space<hbm>> -> memref<10x160xi32, #tpu.memory_space<hbm>>
        %dma_start3A_878 = arith.constant 0 : i32
        %dma_start3A_879 = tpu.memref_slice %arg2[%add3A_451, %dma_start3A_878] : memref<20480x160xi32, #tpu.memory_space<hbm>> -> memref<10x160xi32, #tpu.memory_space<hbm>>
        tpu.enqueue_dma source(%dma_start3A_879 : memref<10x160xi32, #tpu.memory_space<hbm>>) target(%arg5 : memref<10x160xi32, #tpu.memory_space<vmem>>) target_semaphore(%run_scoped3A : memref<!tpu.dma_semaphore, #tpu.memory_space<semaphore_mem>>)
        %dma_wait3A_880 = arith.constant 0 : i32
        %dma_wait3A_881 = tpu.memref_slice %arg2[%add3A_451, %dma_wait3A_880] : memref<20480x160xi32, #tpu.memory_space<hbm>> -> memref<10x160xi32, #tpu.memory_space<hbm>>
        %dma_wait3A_882 = arith.constant 0 : i32
        %dma_wait3A_883 = tpu.memref_slice %arg2[%add3A_451, %dma_wait3A_882] : memref<20480x160xi32, #tpu.memory_space<hbm>> -> memref<10x160xi32, #tpu.memory_space<hbm>>
        tpu.wait_dma2 semaphore(%run_scoped3A : memref<!tpu.dma_semaphore, #tpu.memory_space<semaphore_mem>>) src(%dma_wait3A_883 : memref<10x160xi32, #tpu.memory_space<hbm>>) dst(%arg5 : memref<10x160xi32, #tpu.memory_space<vmem>>)
        tpu.yield
      }) : () -> ()
      %dma_start3A_452 = arith.constant 0 : i32
      %dma_start3A_453 = arith.constant 0 : i32
      %dma_start3A_454 = arith.constant 0 : i32
      %dma_start3A_455 = tpu.memref_slice %arg7[%dma_start3A_453, %dma_start3A_454] : memref<1600x32xf32, #tpu.memory_space<vmem>> -> memref<160x32xf32, #tpu.memory_space<vmem>>
      %dma_start3A_456 = arith.constant 0 : i32
      %dma_start3A_457 = tpu.memref_slice %arg5[%dma_start3A_452, %dma_start3A_456] : memref<10x160xi32, #tpu.memory_space<vmem>> -> memref<1x160xi32, #tpu.memory_space<vmem>>
      %dma_start3A_458 = tpu.memref_squeeze %dma_start3A_457 : memref<1x160xi32, #tpu.memory_space<vmem>> -> memref<160xi32, #tpu.memory_space<vmem>>
      %dma_start3A_459 = arith.constant 0 : i32
      %dma_start3A_460 = arith.constant 0 : i32
      %dma_start3A_461 = tpu.memref_slice %arg3[%dma_start3A_459, %dma_start3A_460] : memref<100000x32xf32, #tpu.memory_space<hbm>> -> memref<100000x32xf32, #tpu.memory_space<hbm>>
      tpu.enqueue_indirect_dma source(%dma_start3A_461 : memref<100000x32xf32, #tpu.memory_space<hbm>>) target(%dma_start3A_455 : memref<160x32xf32, #tpu.memory_space<vmem>>) offsets(%dma_start3A_458 : memref<160xi32, #tpu.memory_space<vmem>>) semaphore(%arg9 : memref<!tpu.dma_semaphore, #tpu.memory_space<semaphore_mem>>)
      %dma_start3A_462 = arith.constant 1 : i32
      %dma_start3A_463 = arith.constant 160 : i32
      %dma_start3A_464 = arith.constant 0 : i32
      %dma_start3A_465 = tpu.memref_slice %arg7[%dma_start3A_463, %dma_start3A_464] : memref<1600x32xf32, #tpu.memory_space<vmem>> -> memref<160x32xf32, #tpu.memory_space<vmem>>
      %dma_start3A_466 = arith.constant 0 : i32
      %dma_start3A_467 = tpu.memref_slice %arg5[%dma_start3A_462, %dma_start3A_466] : memref<10x160xi32, #tpu.memory_space<vmem>> -> memref<1x160xi32, #tpu.memory_space<vmem>>
      %dma_start3A_468 = tpu.memref_squeeze %dma_start3A_467 : memref<1x160xi32, #tpu.memory_space<vmem>> -> memref<160xi32, #tpu.memory_space<vmem>>
      %dma_start3A_469 = arith.constant 0 : i32
      %dma_start3A_470 = arith.constant 0 : i32
      %dma_start3A_471 = tpu.memref_slice %arg3[%dma_start3A_469, %dma_start3A_470] : memref<100000x32xf32, #tpu.memory_space<hbm>> -> memref<100000x32xf32, #tpu.memory_space<hbm>>
      tpu.enqueue_indirect_dma source(%dma_start3A_471 : memref<100000x32xf32, #tpu.memory_space<hbm>>) target(%dma_start3A_465 : memref<160x32xf32, #tpu.memory_space<vmem>>) offsets(%dma_start3A_468 : memref<160xi32, #tpu.memory_space<vmem>>) semaphore(%arg9 : memref<!tpu.dma_semaphore, #tpu.memory_space<semaphore_mem>>)
      %dma_start3A_472 = arith.constant 2 : i32
      %dma_start3A_473 = arith.constant 320 : i32
      %dma_start3A_474 = arith.constant 0 : i32
      %dma_start3A_475 = tpu.memref_slice %arg7[%dma_start3A_473, %dma_start3A_474] : memref<1600x32xf32, #tpu.memory_space<vmem>> -> memref<160x32xf32, #tpu.memory_space<vmem>>
      %dma_start3A_476 = arith.constant 0 : i32
      %dma_start3A_477 = tpu.memref_slice %arg5[%dma_start3A_472, %dma_start3A_476] : memref<10x160xi32, #tpu.memory_space<vmem>> -> memref<1x160xi32, #tpu.memory_space<vmem>>
      %dma_start3A_478 = tpu.memref_squeeze %dma_start3A_477 : memref<1x160xi32, #tpu.memory_space<vmem>> -> memref<160xi32, #tpu.memory_space<vmem>>
      %dma_start3A_479 = arith.constant 0 : i32
      %dma_start3A_480 = arith.constant 0 : i32
      %dma_start3A_481 = tpu.memref_slice %arg3[%dma_start3A_479, %dma_start3A_480] : memref<100000x32xf32, #tpu.memory_space<hbm>> -> memref<100000x32xf32, #tpu.memory_space<hbm>>
      tpu.enqueue_indirect_dma source(%dma_start3A_481 : memref<100000x32xf32, #tpu.memory_space<hbm>>) target(%dma_start3A_475 : memref<160x32xf32, #tpu.memory_space<vmem>>) offsets(%dma_start3A_478 : memref<160xi32, #tpu.memory_space<vmem>>) semaphore(%arg9 : memref<!tpu.dma_semaphore, #tpu.memory_space<semaphore_mem>>)
      %dma_start3A_482 = arith.constant 3 : i32
      %dma_start3A_483 = arith.constant 480 : i32
      %dma_start3A_484 = arith.constant 0 : i32
      %dma_start3A_485 = tpu.memref_slice %arg7[%dma_start3A_483, %dma_start3A_484] : memref<1600x32xf32, #tpu.memory_space<vmem>> -> memref<160x32xf32, #tpu.memory_space<vmem>>
      %dma_start3A_486 = arith.constant 0 : i32
      %dma_start3A_487 = tpu.memref_slice %arg5[%dma_start3A_482, %dma_start3A_486] : memref<10x160xi32, #tpu.memory_space<vmem>> -> memref<1x160xi32, #tpu.memory_space<vmem>>
      %dma_start3A_488 = tpu.memref_squeeze %dma_start3A_487 : memref<1x160xi32, #tpu.memory_space<vmem>> -> memref<160xi32, #tpu.memory_space<vmem>>
      %dma_start3A_489 = arith.constant 0 : i32
      %dma_start3A_490 = arith.constant 0 : i32
      %dma_start3A_491 = tpu.memref_slice %arg3[%dma_start3A_489, %dma_start3A_490] : memref<100000x32xf32, #tpu.memory_space<hbm>> -> memref<100000x32xf32, #tpu.memory_space<hbm>>
      tpu.enqueue_indirect_dma source(%dma_start3A_491 : memref<100000x32xf32, #tpu.memory_space<hbm>>) target(%dma_start3A_485 : memref<160x32xf32, #tpu.memory_space<vmem>>) offsets(%dma_start3A_488 : memref<160xi32, #tpu.memory_space<vmem>>) semaphore(%arg9 : memref<!tpu.dma_semaphore, #tpu.memory_space<semaphore_mem>>)
      %dma_start3A_492 = arith.constant 4 : i32
      %dma_start3A_493 = arith.constant 640 : i32
      %dma_start3A_494 = arith.constant 0 : i32
      %dma_start3A_495 = tpu.memref_slice %arg7[%dma_start3A_493, %dma_start3A_494] : memref<1600x32xf32, #tpu.memory_space<vmem>> -> memref<160x32xf32, #tpu.memory_space<vmem>>
      %dma_start3A_496 = arith.constant 0 : i32
      %dma_start3A_497 = tpu.memref_slice %arg5[%dma_start3A_492, %dma_start3A_496] : memref<10x160xi32, #tpu.memory_space<vmem>> -> memref<1x160xi32, #tpu.memory_space<vmem>>
      %dma_start3A_498 = tpu.memref_squeeze %dma_start3A_497 : memref<1x160xi32, #tpu.memory_space<vmem>> -> memref<160xi32, #tpu.memory_space<vmem>>
      %dma_start3A_499 = arith.constant 0 : i32
      %dma_start3A_500 = arith.constant 0 : i32
      %dma_start3A_501 = tpu.memref_slice %arg3[%dma_start3A_499, %dma_start3A_500] : memref<100000x32xf32, #tpu.memory_space<hbm>> -> memref<100000x32xf32, #tpu.memory_space<hbm>>
      tpu.enqueue_indirect_dma source(%dma_start3A_501 : memref<100000x32xf32, #tpu.memory_space<hbm>>) target(%dma_start3A_495 : memref<160x32xf32, #tpu.memory_space<vmem>>) offsets(%dma_start3A_498 : memref<160xi32, #tpu.memory_space<vmem>>) semaphore(%arg9 : memref<!tpu.dma_semaphore, #tpu.memory_space<semaphore_mem>>)
      %dma_start3A_502 = arith.constant 5 : i32
      %dma_start3A_503 = arith.constant 800 : i32
      %dma_start3A_504 = arith.constant 0 : i32
      %dma_start3A_505 = tpu.memref_slice %arg7[%dma_start3A_503, %dma_start3A_504] : memref<1600x32xf32, #tpu.memory_space<vmem>> -> memref<160x32xf32, #tpu.memory_space<vmem>>
      %dma_start3A_506 = arith.constant 0 : i32
      %dma_start3A_507 = tpu.memref_slice %arg5[%dma_start3A_502, %dma_start3A_506] : memref<10x160xi32, #tpu.memory_space<vmem>> -> memref<1x160xi32, #tpu.memory_space<vmem>>
      %dma_start3A_508 = tpu.memref_squeeze %dma_start3A_507 : memref<1x160xi32, #tpu.memory_space<vmem>> -> memref<160xi32, #tpu.memory_space<vmem>>
      %dma_start3A_509 = arith.constant 0 : i32
      %dma_start3A_510 = arith.constant 0 : i32
      %dma_start3A_511 = tpu.memref_slice %arg3[%dma_start3A_509, %dma_start3A_510] : memref<100000x32xf32, #tpu.memory_space<hbm>> -> memref<100000x32xf32, #tpu.memory_space<hbm>>
      tpu.enqueue_indirect_dma source(%dma_start3A_511 : memref<100000x32xf32, #tpu.memory_space<hbm>>) target(%dma_start3A_505 : memref<160x32xf32, #tpu.memory_space<vmem>>) offsets(%dma_start3A_508 : memref<160xi32, #tpu.memory_space<vmem>>) semaphore(%arg9 : memref<!tpu.dma_semaphore, #tpu.memory_space<semaphore_mem>>)
      %dma_start3A_512 = arith.constant 6 : i32
      %dma_start3A_513 = arith.constant 960 : i32
      %dma_start3A_514 = arith.constant 0 : i32
      %dma_start3A_515 = tpu.memref_slice %arg7[%dma_start3A_513, %dma_start3A_514] : memref<1600x32xf32, #tpu.memory_space<vmem>> -> memref<160x32xf32, #tpu.memory_space<vmem>>
      %dma_start3A_516 = arith.constant 0 : i32
      %dma_start3A_517 = tpu.memref_slice %arg5[%dma_start3A_512, %dma_start3A_516] : memref<10x160xi32, #tpu.memory_space<vmem>> -> memref<1x160xi32, #tpu.memory_space<vmem>>
      %dma_start3A_518 = tpu.memref_squeeze %dma_start3A_517 : memref<1x160xi32, #tpu.memory_space<vmem>> -> memref<160xi32, #tpu.memory_space<vmem>>
      %dma_start3A_519 = arith.constant 0 : i32
      %dma_start3A_520 = arith.constant 0 : i32
      %dma_start3A_521 = tpu.memref_slice %arg3[%dma_start3A_519, %dma_start3A_520] : memref<100000x32xf32, #tpu.memory_space<hbm>> -> memref<100000x32xf32, #tpu.memory_space<hbm>>
      tpu.enqueue_indirect_dma source(%dma_start3A_521 : memref<100000x32xf32, #tpu.memory_space<hbm>>) target(%dma_start3A_515 : memref<160x32xf32, #tpu.memory_space<vmem>>) offsets(%dma_start3A_518 : memref<160xi32, #tpu.memory_space<vmem>>) semaphore(%arg9 : memref<!tpu.dma_semaphore, #tpu.memory_space<semaphore_mem>>)
      %dma_start3A_522 = arith.constant 7 : i32
      %dma_start3A_523 = arith.constant 1120 : i32
      %dma_start3A_524 = arith.constant 0 : i32
      %dma_start3A_525 = tpu.memref_slice %arg7[%dma_start3A_523, %dma_start3A_524] : memref<1600x32xf32, #tpu.memory_space<vmem>> -> memref<160x32xf32, #tpu.memory_space<vmem>>
      %dma_start3A_526 = arith.constant 0 : i32
      %dma_start3A_527 = tpu.memref_slice %arg5[%dma_start3A_522, %dma_start3A_526] : memref<10x160xi32, #tpu.memory_space<vmem>> -> memref<1x160xi32, #tpu.memory_space<vmem>>
      %dma_start3A_528 = tpu.memref_squeeze %dma_start3A_527 : memref<1x160xi32, #tpu.memory_space<vmem>> -> memref<160xi32, #tpu.memory_space<vmem>>
      %dma_start3A_529 = arith.constant 0 : i32
      %dma_start3A_530 = arith.constant 0 : i32
      %dma_start3A_531 = tpu.memref_slice %arg3[%dma_start3A_529, %dma_start3A_530] : memref<100000x32xf32, #tpu.memory_space<hbm>> -> memref<100000x32xf32, #tpu.memory_space<hbm>>
      tpu.enqueue_indirect_dma source(%dma_start3A_531 : memref<100000x32xf32, #tpu.memory_space<hbm>>) target(%dma_start3A_525 : memref<160x32xf32, #tpu.memory_space<vmem>>) offsets(%dma_start3A_528 : memref<160xi32, #tpu.memory_space<vmem>>) semaphore(%arg9 : memref<!tpu.dma_semaphore, #tpu.memory_space<semaphore_mem>>)
      %dma_start3A_532 = arith.constant 8 : i32
      %dma_start3A_533 = arith.constant 1280 : i32
      %dma_start3A_534 = arith.constant 0 : i32
      %dma_start3A_535 = tpu.memref_slice %arg7[%dma_start3A_533, %dma_start3A_534] : memref<1600x32xf32, #tpu.memory_space<vmem>> -> memref<160x32xf32, #tpu.memory_space<vmem>>
      %dma_start3A_536 = arith.constant 0 : i32
      %dma_start3A_537 = tpu.memref_slice %arg5[%dma_start3A_532, %dma_start3A_536] : memref<10x160xi32, #tpu.memory_space<vmem>> -> memref<1x160xi32, #tpu.memory_space<vmem>>
      %dma_start3A_538 = tpu.memref_squeeze %dma_start3A_537 : memref<1x160xi32, #tpu.memory_space<vmem>> -> memref<160xi32, #tpu.memory_space<vmem>>
      %dma_start3A_539 = arith.constant 0 : i32
      %dma_start3A_540 = arith.constant 0 : i32
      %dma_start3A_541 = tpu.memref_slice %arg3[%dma_start3A_539, %dma_start3A_540] : memref<100000x32xf32, #tpu.memory_space<hbm>> -> memref<100000x32xf32, #tpu.memory_space<hbm>>
      tpu.enqueue_indirect_dma source(%dma_start3A_541 : memref<100000x32xf32, #tpu.memory_space<hbm>>) target(%dma_start3A_535 : memref<160x32xf32, #tpu.memory_space<vmem>>) offsets(%dma_start3A_538 : memref<160xi32, #tpu.memory_space<vmem>>) semaphore(%arg9 : memref<!tpu.dma_semaphore, #tpu.memory_space<semaphore_mem>>)
      %dma_start3A_542 = arith.constant 9 : i32
      %dma_start3A_543 = arith.constant 1440 : i32
      %dma_start3A_544 = arith.constant 0 : i32
      %dma_start3A_545 = tpu.memref_slice %arg7[%dma_start3A_543, %dma_start3A_544] : memref<1600x32xf32, #tpu.memory_space<vmem>> -> memref<160x32xf32, #tpu.memory_space<vmem>>
      %dma_start3A_546 = arith.constant 0 : i32
      %dma_start3A_547 = tpu.memref_slice %arg5[%dma_start3A_542, %dma_start3A_546] : memref<10x160xi32, #tpu.memory_space<vmem>> -> memref<1x160xi32, #tpu.memory_space<vmem>>
      %dma_start3A_548 = tpu.memref_squeeze %dma_start3A_547 : memref<1x160xi32, #tpu.memory_space<vmem>> -> memref<160xi32, #tpu.memory_space<vmem>>
      %dma_start3A_549 = arith.constant 0 : i32
      %dma_start3A_550 = arith.constant 0 : i32
      %dma_start3A_551 = tpu.memref_slice %arg3[%dma_start3A_549, %dma_start3A_550] : memref<100000x32xf32, #tpu.memory_space<hbm>> -> memref<100000x32xf32, #tpu.memory_space<hbm>>
      tpu.enqueue_indirect_dma source(%dma_start3A_551 : memref<100000x32xf32, #tpu.memory_space<hbm>>) target(%dma_start3A_545 : memref<160x32xf32, #tpu.memory_space<vmem>>) offsets(%dma_start3A_548 : memref<160xi32, #tpu.memory_space<vmem>>) semaphore(%arg9 : memref<!tpu.dma_semaphore, #tpu.memory_space<semaphore_mem>>)
      %mul3A_552 = arith.constant 1600 : i32
      %mul3A_553 = arith.muli %add3A_441, %mul3A_552 : i32
      %add3A_554 = arith.addi %mul3A_6, %mul3A_553 : i32
      %dma_wait3A_555 = arith.constant 0 : i32
      %dma_wait3A_556 = tpu.memref_slice %arg4[%add3A_554, %dma_wait3A_555] : memref<3276800x128xf32, #tpu.memory_space<hbm>> -> memref<1600x32xf32, #tpu.memory_space<hbm>>
      %dma_wait3A_557 = arith.constant 0 : i32
      %dma_wait3A_558 = tpu.memref_slice %arg4[%add3A_554, %dma_wait3A_557] : memref<3276800x128xf32, #tpu.memory_space<hbm>> -> memref<1600x32xf32, #tpu.memory_space<hbm>>
      tpu.wait_dma2 semaphore(%arg12 : memref<!tpu.dma_semaphore, #tpu.memory_space<semaphore_mem>>) src(%arg8 : memref<1600x32xf32, #tpu.memory_space<vmem>>) dst(%dma_wait3A_558 : memref<1600x32xf32, #tpu.memory_space<hbm>>)
      %mul3A_559 = arith.constant 10 : i32
      %mul3A_560 = arith.muli %add3A_441, %mul3A_559 : i32
      %add3A_561 = arith.addi %mul3A_2, %mul3A_560 : i32
      "tpu.region"() ({
        %run_scoped3A = tpu.sem_alloc : memref<!tpu.dma_semaphore, #tpu.memory_space<semaphore_mem>>
        %dma_start3A_876 = arith.constant 0 : i32
        %dma_start3A_877 = tpu.memref_slice %arg2[%add3A_561, %dma_start3A_876] : memref<20480x160xi32, #tpu.memory_space<hbm>> -> memref<10x160xi32, #tpu.memory_space<hbm>>
        %dma_start3A_878 = arith.constant 0 : i32
        %dma_start3A_879 = tpu.memref_slice %arg2[%add3A_561, %dma_start3A_878] : memref<20480x160xi32, #tpu.memory_space<hbm>> -> memref<10x160xi32, #tpu.memory_space<hbm>>
        tpu.enqueue_dma source(%dma_start3A_879 : memref<10x160xi32, #tpu.memory_space<hbm>>) target(%arg6 : memref<10x160xi32, #tpu.memory_space<vmem>>) target_semaphore(%run_scoped3A : memref<!tpu.dma_semaphore, #tpu.memory_space<semaphore_mem>>)
        %dma_wait3A_880 = arith.constant 0 : i32
        %dma_wait3A_881 = tpu.memref_slice %arg2[%add3A_561, %dma_wait3A_880] : memref<20480x160xi32, #tpu.memory_space<hbm>> -> memref<10x160xi32, #tpu.memory_space<hbm>>
        %dma_wait3A_882 = arith.constant 0 : i32
        %dma_wait3A_883 = tpu.memref_slice %arg2[%add3A_561, %dma_wait3A_882] : memref<20480x160xi32, #tpu.memory_space<hbm>> -> memref<10x160xi32, #tpu.memory_space<hbm>>
        tpu.wait_dma2 semaphore(%run_scoped3A : memref<!tpu.dma_semaphore, #tpu.memory_space<semaphore_mem>>) src(%dma_wait3A_883 : memref<10x160xi32, #tpu.memory_space<hbm>>) dst(%arg6 : memref<10x160xi32, #tpu.memory_space<vmem>>)
        tpu.yield
      }) : () -> ()
      %dma_start3A_562 = arith.constant 0 : i32
      %dma_start3A_563 = arith.constant 0 : i32
      %dma_start3A_564 = arith.constant 0 : i32
      %dma_start3A_565 = tpu.memref_slice %arg8[%dma_start3A_563, %dma_start3A_564] : memref<1600x32xf32, #tpu.memory_space<vmem>> -> memref<160x32xf32, #tpu.memory_space<vmem>>
      %dma_start3A_566 = arith.constant 0 : i32
      %dma_start3A_567 = tpu.memref_slice %arg6[%dma_start3A_562, %dma_start3A_566] : memref<10x160xi32, #tpu.memory_space<vmem>> -> memref<1x160xi32, #tpu.memory_space<vmem>>
      %dma_start3A_568 = tpu.memref_squeeze %dma_start3A_567 : memref<1x160xi32, #tpu.memory_space<vmem>> -> memref<160xi32, #tpu.memory_space<vmem>>
      %dma_start3A_569 = arith.constant 0 : i32
      %dma_start3A_570 = arith.constant 0 : i32
      %dma_start3A_571 = tpu.memref_slice %arg3[%dma_start3A_569, %dma_start3A_570] : memref<100000x32xf32, #tpu.memory_space<hbm>> -> memref<100000x32xf32, #tpu.memory_space<hbm>>
      tpu.enqueue_indirect_dma source(%dma_start3A_571 : memref<100000x32xf32, #tpu.memory_space<hbm>>) target(%dma_start3A_565 : memref<160x32xf32, #tpu.memory_space<vmem>>) offsets(%dma_start3A_568 : memref<160xi32, #tpu.memory_space<vmem>>) semaphore(%arg10 : memref<!tpu.dma_semaphore, #tpu.memory_space<semaphore_mem>>)
      %dma_start3A_572 = arith.constant 1 : i32
      %dma_start3A_573 = arith.constant 160 : i32
      %dma_start3A_574 = arith.constant 0 : i32
      %dma_start3A_575 = tpu.memref_slice %arg8[%dma_start3A_573, %dma_start3A_574] : memref<1600x32xf32, #tpu.memory_space<vmem>> -> memref<160x32xf32, #tpu.memory_space<vmem>>
      %dma_start3A_576 = arith.constant 0 : i32
      %dma_start3A_577 = tpu.memref_slice %arg6[%dma_start3A_572, %dma_start3A_576] : memref<10x160xi32, #tpu.memory_space<vmem>> -> memref<1x160xi32, #tpu.memory_space<vmem>>
      %dma_start3A_578 = tpu.memref_squeeze %dma_start3A_577 : memref<1x160xi32, #tpu.memory_space<vmem>> -> memref<160xi32, #tpu.memory_space<vmem>>
      %dma_start3A_579 = arith.constant 0 : i32
      %dma_start3A_580 = arith.constant 0 : i32
      %dma_start3A_581 = tpu.memref_slice %arg3[%dma_start3A_579, %dma_start3A_580] : memref<100000x32xf32, #tpu.memory_space<hbm>> -> memref<100000x32xf32, #tpu.memory_space<hbm>>
      tpu.enqueue_indirect_dma source(%dma_start3A_581 : memref<100000x32xf32, #tpu.memory_space<hbm>>) target(%dma_start3A_575 : memref<160x32xf32, #tpu.memory_space<vmem>>) offsets(%dma_start3A_578 : memref<160xi32, #tpu.memory_space<vmem>>) semaphore(%arg10 : memref<!tpu.dma_semaphore, #tpu.memory_space<semaphore_mem>>)
      %dma_start3A_582 = arith.constant 2 : i32
      %dma_start3A_583 = arith.constant 320 : i32
      %dma_start3A_584 = arith.constant 0 : i32
      %dma_start3A_585 = tpu.memref_slice %arg8[%dma_start3A_583, %dma_start3A_584] : memref<1600x32xf32, #tpu.memory_space<vmem>> -> memref<160x32xf32, #tpu.memory_space<vmem>>
      %dma_start3A_586 = arith.constant 0 : i32
      %dma_start3A_587 = tpu.memref_slice %arg6[%dma_start3A_582, %dma_start3A_586] : memref<10x160xi32, #tpu.memory_space<vmem>> -> memref<1x160xi32, #tpu.memory_space<vmem>>
      %dma_start3A_588 = tpu.memref_squeeze %dma_start3A_587 : memref<1x160xi32, #tpu.memory_space<vmem>> -> memref<160xi32, #tpu.memory_space<vmem>>
      %dma_start3A_589 = arith.constant 0 : i32
      %dma_start3A_590 = arith.constant 0 : i32
      %dma_start3A_591 = tpu.memref_slice %arg3[%dma_start3A_589, %dma_start3A_590] : memref<100000x32xf32, #tpu.memory_space<hbm>> -> memref<100000x32xf32, #tpu.memory_space<hbm>>
      tpu.enqueue_indirect_dma source(%dma_start3A_591 : memref<100000x32xf32, #tpu.memory_space<hbm>>) target(%dma_start3A_585 : memref<160x32xf32, #tpu.memory_space<vmem>>) offsets(%dma_start3A_588 : memref<160xi32, #tpu.memory_space<vmem>>) semaphore(%arg10 : memref<!tpu.dma_semaphore, #tpu.memory_space<semaphore_mem>>)
      %dma_start3A_592 = arith.constant 3 : i32
      %dma_start3A_593 = arith.constant 480 : i32
      %dma_start3A_594 = arith.constant 0 : i32
      %dma_start3A_595 = tpu.memref_slice %arg8[%dma_start3A_593, %dma_start3A_594] : memref<1600x32xf32, #tpu.memory_space<vmem>> -> memref<160x32xf32, #tpu.memory_space<vmem>>
      %dma_start3A_596 = arith.constant 0 : i32
      %dma_start3A_597 = tpu.memref_slice %arg6[%dma_start3A_592, %dma_start3A_596] : memref<10x160xi32, #tpu.memory_space<vmem>> -> memref<1x160xi32, #tpu.memory_space<vmem>>
      %dma_start3A_598 = tpu.memref_squeeze %dma_start3A_597 : memref<1x160xi32, #tpu.memory_space<vmem>> -> memref<160xi32, #tpu.memory_space<vmem>>
      %dma_start3A_599 = arith.constant 0 : i32
      %dma_start3A_600 = arith.constant 0 : i32
      %dma_start3A_601 = tpu.memref_slice %arg3[%dma_start3A_599, %dma_start3A_600] : memref<100000x32xf32, #tpu.memory_space<hbm>> -> memref<100000x32xf32, #tpu.memory_space<hbm>>
      tpu.enqueue_indirect_dma source(%dma_start3A_601 : memref<100000x32xf32, #tpu.memory_space<hbm>>) target(%dma_start3A_595 : memref<160x32xf32, #tpu.memory_space<vmem>>) offsets(%dma_start3A_598 : memref<160xi32, #tpu.memory_space<vmem>>) semaphore(%arg10 : memref<!tpu.dma_semaphore, #tpu.memory_space<semaphore_mem>>)
      %dma_start3A_602 = arith.constant 4 : i32
      %dma_start3A_603 = arith.constant 640 : i32
      %dma_start3A_604 = arith.constant 0 : i32
      %dma_start3A_605 = tpu.memref_slice %arg8[%dma_start3A_603, %dma_start3A_604] : memref<1600x32xf32, #tpu.memory_space<vmem>> -> memref<160x32xf32, #tpu.memory_space<vmem>>
      %dma_start3A_606 = arith.constant 0 : i32
      %dma_start3A_607 = tpu.memref_slice %arg6[%dma_start3A_602, %dma_start3A_606] : memref<10x160xi32, #tpu.memory_space<vmem>> -> memref<1x160xi32, #tpu.memory_space<vmem>>
      %dma_start3A_608 = tpu.memref_squeeze %dma_start3A_607 : memref<1x160xi32, #tpu.memory_space<vmem>> -> memref<160xi32, #tpu.memory_space<vmem>>
      %dma_start3A_609 = arith.constant 0 : i32
      %dma_start3A_610 = arith.constant 0 : i32
      %dma_start3A_611 = tpu.memref_slice %arg3[%dma_start3A_609, %dma_start3A_610] : memref<100000x32xf32, #tpu.memory_space<hbm>> -> memref<100000x32xf32, #tpu.memory_space<hbm>>
      tpu.enqueue_indirect_dma source(%dma_start3A_611 : memref<100000x32xf32, #tpu.memory_space<hbm>>) target(%dma_start3A_605 : memref<160x32xf32, #tpu.memory_space<vmem>>) offsets(%dma_start3A_608 : memref<160xi32, #tpu.memory_space<vmem>>) semaphore(%arg10 : memref<!tpu.dma_semaphore, #tpu.memory_space<semaphore_mem>>)
      %dma_start3A_612 = arith.constant 5 : i32
      %dma_start3A_613 = arith.constant 800 : i32
      %dma_start3A_614 = arith.constant 0 : i32
      %dma_start3A_615 = tpu.memref_slice %arg8[%dma_start3A_613, %dma_start3A_614] : memref<1600x32xf32, #tpu.memory_space<vmem>> -> memref<160x32xf32, #tpu.memory_space<vmem>>
      %dma_start3A_616 = arith.constant 0 : i32
      %dma_start3A_617 = tpu.memref_slice %arg6[%dma_start3A_612, %dma_start3A_616] : memref<10x160xi32, #tpu.memory_space<vmem>> -> memref<1x160xi32, #tpu.memory_space<vmem>>
      %dma_start3A_618 = tpu.memref_squeeze %dma_start3A_617 : memref<1x160xi32, #tpu.memory_space<vmem>> -> memref<160xi32, #tpu.memory_space<vmem>>
      %dma_start3A_619 = arith.constant 0 : i32
      %dma_start3A_620 = arith.constant 0 : i32
      %dma_start3A_621 = tpu.memref_slice %arg3[%dma_start3A_619, %dma_start3A_620] : memref<100000x32xf32, #tpu.memory_space<hbm>> -> memref<100000x32xf32, #tpu.memory_space<hbm>>
      tpu.enqueue_indirect_dma source(%dma_start3A_621 : memref<100000x32xf32, #tpu.memory_space<hbm>>) target(%dma_start3A_615 : memref<160x32xf32, #tpu.memory_space<vmem>>) offsets(%dma_start3A_618 : memref<160xi32, #tpu.memory_space<vmem>>) semaphore(%arg10 : memref<!tpu.dma_semaphore, #tpu.memory_space<semaphore_mem>>)
      %dma_start3A_622 = arith.constant 6 : i32
      %dma_start3A_623 = arith.constant 960 : i32
      %dma_start3A_624 = arith.constant 0 : i32
      %dma_start3A_625 = tpu.memref_slice %arg8[%dma_start3A_623, %dma_start3A_624] : memref<1600x32xf32, #tpu.memory_space<vmem>> -> memref<160x32xf32, #tpu.memory_space<vmem>>
      %dma_start3A_626 = arith.constant 0 : i32
      %dma_start3A_627 = tpu.memref_slice %arg6[%dma_start3A_622, %dma_start3A_626] : memref<10x160xi32, #tpu.memory_space<vmem>> -> memref<1x160xi32, #tpu.memory_space<vmem>>
      %dma_start3A_628 = tpu.memref_squeeze %dma_start3A_627 : memref<1x160xi32, #tpu.memory_space<vmem>> -> memref<160xi32, #tpu.memory_space<vmem>>
      %dma_start3A_629 = arith.constant 0 : i32
      %dma_start3A_630 = arith.constant 0 : i32
      %dma_start3A_631 = tpu.memref_slice %arg3[%dma_start3A_629, %dma_start3A_630] : memref<100000x32xf32, #tpu.memory_space<hbm>> -> memref<100000x32xf32, #tpu.memory_space<hbm>>
      tpu.enqueue_indirect_dma source(%dma_start3A_631 : memref<100000x32xf32, #tpu.memory_space<hbm>>) target(%dma_start3A_625 : memref<160x32xf32, #tpu.memory_space<vmem>>) offsets(%dma_start3A_628 : memref<160xi32, #tpu.memory_space<vmem>>) semaphore(%arg10 : memref<!tpu.dma_semaphore, #tpu.memory_space<semaphore_mem>>)
      %dma_start3A_632 = arith.constant 7 : i32
      %dma_start3A_633 = arith.constant 1120 : i32
      %dma_start3A_634 = arith.constant 0 : i32
      %dma_start3A_635 = tpu.memref_slice %arg8[%dma_start3A_633, %dma_start3A_634] : memref<1600x32xf32, #tpu.memory_space<vmem>> -> memref<160x32xf32, #tpu.memory_space<vmem>>
      %dma_start3A_636 = arith.constant 0 : i32
      %dma_start3A_637 = tpu.memref_slice %arg6[%dma_start3A_632, %dma_start3A_636] : memref<10x160xi32, #tpu.memory_space<vmem>> -> memref<1x160xi32, #tpu.memory_space<vmem>>
      %dma_start3A_638 = tpu.memref_squeeze %dma_start3A_637 : memref<1x160xi32, #tpu.memory_space<vmem>> -> memref<160xi32, #tpu.memory_space<vmem>>
      %dma_start3A_639 = arith.constant 0 : i32
      %dma_start3A_640 = arith.constant 0 : i32
      %dma_start3A_641 = tpu.memref_slice %arg3[%dma_start3A_639, %dma_start3A_640] : memref<100000x32xf32, #tpu.memory_space<hbm>> -> memref<100000x32xf32, #tpu.memory_space<hbm>>
      tpu.enqueue_indirect_dma source(%dma_start3A_641 : memref<100000x32xf32, #tpu.memory_space<hbm>>) target(%dma_start3A_635 : memref<160x32xf32, #tpu.memory_space<vmem>>) offsets(%dma_start3A_638 : memref<160xi32, #tpu.memory_space<vmem>>) semaphore(%arg10 : memref<!tpu.dma_semaphore, #tpu.memory_space<semaphore_mem>>)
      %dma_start3A_642 = arith.constant 8 : i32
      %dma_start3A_643 = arith.constant 1280 : i32
      %dma_start3A_644 = arith.constant 0 : i32
      %dma_start3A_645 = tpu.memref_slice %arg8[%dma_start3A_643, %dma_start3A_644] : memref<1600x32xf32, #tpu.memory_space<vmem>> -> memref<160x32xf32, #tpu.memory_space<vmem>>
      %dma_start3A_646 = arith.constant 0 : i32
      %dma_start3A_647 = tpu.memref_slice %arg6[%dma_start3A_642, %dma_start3A_646] : memref<10x160xi32, #tpu.memory_space<vmem>> -> memref<1x160xi32, #tpu.memory_space<vmem>>
      %dma_start3A_648 = tpu.memref_squeeze %dma_start3A_647 : memref<1x160xi32, #tpu.memory_space<vmem>> -> memref<160xi32, #tpu.memory_space<vmem>>
      %dma_start3A_649 = arith.constant 0 : i32
      %dma_start3A_650 = arith.constant 0 : i32
      %dma_start3A_651 = tpu.memref_slice %arg3[%dma_start3A_649, %dma_start3A_650] : memref<100000x32xf32, #tpu.memory_space<hbm>> -> memref<100000x32xf32, #tpu.memory_space<hbm>>
      tpu.enqueue_indirect_dma source(%dma_start3A_651 : memref<100000x32xf32, #tpu.memory_space<hbm>>) target(%dma_start3A_645 : memref<160x32xf32, #tpu.memory_space<vmem>>) offsets(%dma_start3A_648 : memref<160xi32, #tpu.memory_space<vmem>>) semaphore(%arg10 : memref<!tpu.dma_semaphore, #tpu.memory_space<semaphore_mem>>)
      %dma_start3A_652 = arith.constant 9 : i32
      %dma_start3A_653 = arith.constant 1440 : i32
      %dma_start3A_654 = arith.constant 0 : i32
      %dma_start3A_655 = tpu.memref_slice %arg8[%dma_start3A_653, %dma_start3A_654] : memref<1600x32xf32, #tpu.memory_space<vmem>> -> memref<160x32xf32, #tpu.memory_space<vmem>>
      %dma_start3A_656 = arith.constant 0 : i32
      %dma_start3A_657 = tpu.memref_slice %arg6[%dma_start3A_652, %dma_start3A_656] : memref<10x160xi32, #tpu.memory_space<vmem>> -> memref<1x160xi32, #tpu.memory_space<vmem>>
      %dma_start3A_658 = tpu.memref_squeeze %dma_start3A_657 : memref<1x160xi32, #tpu.memory_space<vmem>> -> memref<160xi32, #tpu.memory_space<vmem>>
      %dma_start3A_659 = arith.constant 0 : i32
      %dma_start3A_660 = arith.constant 0 : i32
      %dma_start3A_661 = tpu.memref_slice %arg3[%dma_start3A_659, %dma_start3A_660] : memref<100000x32xf32, #tpu.memory_space<hbm>> -> memref<100000x32xf32, #tpu.memory_space<hbm>>
      tpu.enqueue_indirect_dma source(%dma_start3A_661 : memref<100000x32xf32, #tpu.memory_space<hbm>>) target(%dma_start3A_655 : memref<160x32xf32, #tpu.memory_space<vmem>>) offsets(%dma_start3A_658 : memref<160xi32, #tpu.memory_space<vmem>>) semaphore(%arg10 : memref<!tpu.dma_semaphore, #tpu.memory_space<semaphore_mem>>)
      %dma_wait3A_662 = arith.constant 0 : i32
      %dma_wait3A_663 = arith.constant 0 : i32
      %dma_wait3A_664 = arith.constant 0 : i32
      %dma_wait3A_665 = tpu.memref_slice %arg7[%dma_wait3A_663, %dma_wait3A_664] : memref<1600x32xf32, #tpu.memory_space<vmem>> -> memref<160x32xf32, #tpu.memory_space<vmem>>
      %dma_wait3A_666 = arith.constant 0 : i32
      %dma_wait3A_667 = tpu.memref_slice %arg5[%dma_wait3A_662, %dma_wait3A_666] : memref<10x160xi32, #tpu.memory_space<vmem>> -> memref<1x160xi32, #tpu.memory_space<vmem>>
      %dma_wait3A_668 = tpu.memref_squeeze %dma_wait3A_667 : memref<1x160xi32, #tpu.memory_space<vmem>> -> memref<160xi32, #tpu.memory_space<vmem>>
      %dma_wait3A_669 = arith.constant 0 : i32
      %dma_wait3A_670 = arith.constant 0 : i32
      %dma_wait3A_671 = tpu.memref_slice %arg3[%dma_wait3A_669, %dma_wait3A_670] : memref<100000x32xf32, #tpu.memory_space<hbm>> -> memref<100000x32xf32, #tpu.memory_space<hbm>>
      tpu.wait_indirect_dma semaphore(%arg9 : memref<!tpu.dma_semaphore, #tpu.memory_space<semaphore_mem>>) src(%dma_wait3A_671 : memref<100000x32xf32, #tpu.memory_space<hbm>>) dst(%dma_wait3A_665 : memref<160x32xf32, #tpu.memory_space<vmem>>)
      %dma_wait3A_672 = arith.constant 1 : i32
      %dma_wait3A_673 = arith.constant 160 : i32
      %dma_wait3A_674 = arith.constant 0 : i32
      %dma_wait3A_675 = tpu.memref_slice %arg7[%dma_wait3A_673, %dma_wait3A_674] : memref<1600x32xf32, #tpu.memory_space<vmem>> -> memref<160x32xf32, #tpu.memory_space<vmem>>
      %dma_wait3A_676 = arith.constant 0 : i32
      %dma_wait3A_677 = tpu.memref_slice %arg5[%dma_wait3A_672, %dma_wait3A_676] : memref<10x160xi32, #tpu.memory_space<vmem>> -> memref<1x160xi32, #tpu.memory_space<vmem>>
      %dma_wait3A_678 = tpu.memref_squeeze %dma_wait3A_677 : memref<1x160xi32, #tpu.memory_space<vmem>> -> memref<160xi32, #tpu.memory_space<vmem>>
      %dma_wait3A_679 = arith.constant 0 : i32
      %dma_wait3A_680 = arith.constant 0 : i32
      %dma_wait3A_681 = tpu.memref_slice %arg3[%dma_wait3A_679, %dma_wait3A_680] : memref<100000x32xf32, #tpu.memory_space<hbm>> -> memref<100000x32xf32, #tpu.memory_space<hbm>>
      tpu.wait_indirect_dma semaphore(%arg9 : memref<!tpu.dma_semaphore, #tpu.memory_space<semaphore_mem>>) src(%dma_wait3A_681 : memref<100000x32xf32, #tpu.memory_space<hbm>>) dst(%dma_wait3A_675 : memref<160x32xf32, #tpu.memory_space<vmem>>)
      %dma_wait3A_682 = arith.constant 2 : i32
      %dma_wait3A_683 = arith.constant 320 : i32
      %dma_wait3A_684 = arith.constant 0 : i32
      %dma_wait3A_685 = tpu.memref_slice %arg7[%dma_wait3A_683, %dma_wait3A_684] : memref<1600x32xf32, #tpu.memory_space<vmem>> -> memref<160x32xf32, #tpu.memory_space<vmem>>
      %dma_wait3A_686 = arith.constant 0 : i32
      %dma_wait3A_687 = tpu.memref_slice %arg5[%dma_wait3A_682, %dma_wait3A_686] : memref<10x160xi32, #tpu.memory_space<vmem>> -> memref<1x160xi32, #tpu.memory_space<vmem>>
      %dma_wait3A_688 = tpu.memref_squeeze %dma_wait3A_687 : memref<1x160xi32, #tpu.memory_space<vmem>> -> memref<160xi32, #tpu.memory_space<vmem>>
      %dma_wait3A_689 = arith.constant 0 : i32
      %dma_wait3A_690 = arith.constant 0 : i32
      %dma_wait3A_691 = tpu.memref_slice %arg3[%dma_wait3A_689, %dma_wait3A_690] : memref<100000x32xf32, #tpu.memory_space<hbm>> -> memref<100000x32xf32, #tpu.memory_space<hbm>>
      tpu.wait_indirect_dma semaphore(%arg9 : memref<!tpu.dma_semaphore, #tpu.memory_space<semaphore_mem>>) src(%dma_wait3A_691 : memref<100000x32xf32, #tpu.memory_space<hbm>>) dst(%dma_wait3A_685 : memref<160x32xf32, #tpu.memory_space<vmem>>)
      %dma_wait3A_692 = arith.constant 3 : i32
      %dma_wait3A_693 = arith.constant 480 : i32
      %dma_wait3A_694 = arith.constant 0 : i32
      %dma_wait3A_695 = tpu.memref_slice %arg7[%dma_wait3A_693, %dma_wait3A_694] : memref<1600x32xf32, #tpu.memory_space<vmem>> -> memref<160x32xf32, #tpu.memory_space<vmem>>
      %dma_wait3A_696 = arith.constant 0 : i32
      %dma_wait3A_697 = tpu.memref_slice %arg5[%dma_wait3A_692, %dma_wait3A_696] : memref<10x160xi32, #tpu.memory_space<vmem>> -> memref<1x160xi32, #tpu.memory_space<vmem>>
      %dma_wait3A_698 = tpu.memref_squeeze %dma_wait3A_697 : memref<1x160xi32, #tpu.memory_space<vmem>> -> memref<160xi32, #tpu.memory_space<vmem>>
      %dma_wait3A_699 = arith.constant 0 : i32
      %dma_wait3A_700 = arith.constant 0 : i32
      %dma_wait3A_701 = tpu.memref_slice %arg3[%dma_wait3A_699, %dma_wait3A_700] : memref<100000x32xf32, #tpu.memory_space<hbm>> -> memref<100000x32xf32, #tpu.memory_space<hbm>>
      tpu.wait_indirect_dma semaphore(%arg9 : memref<!tpu.dma_semaphore, #tpu.memory_space<semaphore_mem>>) src(%dma_wait3A_701 : memref<100000x32xf32, #tpu.memory_space<hbm>>) dst(%dma_wait3A_695 : memref<160x32xf32, #tpu.memory_space<vmem>>)
      %dma_wait3A_702 = arith.constant 4 : i32
      %dma_wait3A_703 = arith.constant 640 : i32
      %dma_wait3A_704 = arith.constant 0 : i32
      %dma_wait3A_705 = tpu.memref_slice %arg7[%dma_wait3A_703, %dma_wait3A_704] : memref<1600x32xf32, #tpu.memory_space<vmem>> -> memref<160x32xf32, #tpu.memory_space<vmem>>
      %dma_wait3A_706 = arith.constant 0 : i32
      %dma_wait3A_707 = tpu.memref_slice %arg5[%dma_wait3A_702, %dma_wait3A_706] : memref<10x160xi32, #tpu.memory_space<vmem>> -> memref<1x160xi32, #tpu.memory_space<vmem>>
      %dma_wait3A_708 = tpu.memref_squeeze %dma_wait3A_707 : memref<1x160xi32, #tpu.memory_space<vmem>> -> memref<160xi32, #tpu.memory_space<vmem>>
      %dma_wait3A_709 = arith.constant 0 : i32
      %dma_wait3A_710 = arith.constant 0 : i32
      %dma_wait3A_711 = tpu.memref_slice %arg3[%dma_wait3A_709, %dma_wait3A_710] : memref<100000x32xf32, #tpu.memory_space<hbm>> -> memref<100000x32xf32, #tpu.memory_space<hbm>>
      tpu.wait_indirect_dma semaphore(%arg9 : memref<!tpu.dma_semaphore, #tpu.memory_space<semaphore_mem>>) src(%dma_wait3A_711 : memref<100000x32xf32, #tpu.memory_space<hbm>>) dst(%dma_wait3A_705 : memref<160x32xf32, #tpu.memory_space<vmem>>)
      %dma_wait3A_712 = arith.constant 5 : i32
      %dma_wait3A_713 = arith.constant 800 : i32
      %dma_wait3A_714 = arith.constant 0 : i32
      %dma_wait3A_715 = tpu.memref_slice %arg7[%dma_wait3A_713, %dma_wait3A_714] : memref<1600x32xf32, #tpu.memory_space<vmem>> -> memref<160x32xf32, #tpu.memory_space<vmem>>
      %dma_wait3A_716 = arith.constant 0 : i32
      %dma_wait3A_717 = tpu.memref_slice %arg5[%dma_wait3A_712, %dma_wait3A_716] : memref<10x160xi32, #tpu.memory_space<vmem>> -> memref<1x160xi32, #tpu.memory_space<vmem>>
      %dma_wait3A_718 = tpu.memref_squeeze %dma_wait3A_717 : memref<1x160xi32, #tpu.memory_space<vmem>> -> memref<160xi32, #tpu.memory_space<vmem>>
      %dma_wait3A_719 = arith.constant 0 : i32
      %dma_wait3A_720 = arith.constant 0 : i32
      %dma_wait3A_721 = tpu.memref_slice %arg3[%dma_wait3A_719, %dma_wait3A_720] : memref<100000x32xf32, #tpu.memory_space<hbm>> -> memref<100000x32xf32, #tpu.memory_space<hbm>>
      tpu.wait_indirect_dma semaphore(%arg9 : memref<!tpu.dma_semaphore, #tpu.memory_space<semaphore_mem>>) src(%dma_wait3A_721 : memref<100000x32xf32, #tpu.memory_space<hbm>>) dst(%dma_wait3A_715 : memref<160x32xf32, #tpu.memory_space<vmem>>)
      %dma_wait3A_722 = arith.constant 6 : i32
      %dma_wait3A_723 = arith.constant 960 : i32
      %dma_wait3A_724 = arith.constant 0 : i32
      %dma_wait3A_725 = tpu.memref_slice %arg7[%dma_wait3A_723, %dma_wait3A_724] : memref<1600x32xf32, #tpu.memory_space<vmem>> -> memref<160x32xf32, #tpu.memory_space<vmem>>
      %dma_wait3A_726 = arith.constant 0 : i32
      %dma_wait3A_727 = tpu.memref_slice %arg5[%dma_wait3A_722, %dma_wait3A_726] : memref<10x160xi32, #tpu.memory_space<vmem>> -> memref<1x160xi32, #tpu.memory_space<vmem>>
      %dma_wait3A_728 = tpu.memref_squeeze %dma_wait3A_727 : memref<1x160xi32, #tpu.memory_space<vmem>> -> memref<160xi32, #tpu.memory_space<vmem>>
      %dma_wait3A_729 = arith.constant 0 : i32
      %dma_wait3A_730 = arith.constant 0 : i32
      %dma_wait3A_731 = tpu.memref_slice %arg3[%dma_wait3A_729, %dma_wait3A_730] : memref<100000x32xf32, #tpu.memory_space<hbm>> -> memref<100000x32xf32, #tpu.memory_space<hbm>>
      tpu.wait_indirect_dma semaphore(%arg9 : memref<!tpu.dma_semaphore, #tpu.memory_space<semaphore_mem>>) src(%dma_wait3A_731 : memref<100000x32xf32, #tpu.memory_space<hbm>>) dst(%dma_wait3A_725 : memref<160x32xf32, #tpu.memory_space<vmem>>)
      %dma_wait3A_732 = arith.constant 7 : i32
      %dma_wait3A_733 = arith.constant 1120 : i32
      %dma_wait3A_734 = arith.constant 0 : i32
      %dma_wait3A_735 = tpu.memref_slice %arg7[%dma_wait3A_733, %dma_wait3A_734] : memref<1600x32xf32, #tpu.memory_space<vmem>> -> memref<160x32xf32, #tpu.memory_space<vmem>>
      %dma_wait3A_736 = arith.constant 0 : i32
      %dma_wait3A_737 = tpu.memref_slice %arg5[%dma_wait3A_732, %dma_wait3A_736] : memref<10x160xi32, #tpu.memory_space<vmem>> -> memref<1x160xi32, #tpu.memory_space<vmem>>
      %dma_wait3A_738 = tpu.memref_squeeze %dma_wait3A_737 : memref<1x160xi32, #tpu.memory_space<vmem>> -> memref<160xi32, #tpu.memory_space<vmem>>
      %dma_wait3A_739 = arith.constant 0 : i32
      %dma_wait3A_740 = arith.constant 0 : i32
      %dma_wait3A_741 = tpu.memref_slice %arg3[%dma_wait3A_739, %dma_wait3A_740] : memref<100000x32xf32, #tpu.memory_space<hbm>> -> memref<100000x32xf32, #tpu.memory_space<hbm>>
      tpu.wait_indirect_dma semaphore(%arg9 : memref<!tpu.dma_semaphore, #tpu.memory_space<semaphore_mem>>) src(%dma_wait3A_741 : memref<100000x32xf32, #tpu.memory_space<hbm>>) dst(%dma_wait3A_735 : memref<160x32xf32, #tpu.memory_space<vmem>>)
      %dma_wait3A_742 = arith.constant 8 : i32
      %dma_wait3A_743 = arith.constant 1280 : i32
      %dma_wait3A_744 = arith.constant 0 : i32
      %dma_wait3A_745 = tpu.memref_slice %arg7[%dma_wait3A_743, %dma_wait3A_744] : memref<1600x32xf32, #tpu.memory_space<vmem>> -> memref<160x32xf32, #tpu.memory_space<vmem>>
      %dma_wait3A_746 = arith.constant 0 : i32
      %dma_wait3A_747 = tpu.memref_slice %arg5[%dma_wait3A_742, %dma_wait3A_746] : memref<10x160xi32, #tpu.memory_space<vmem>> -> memref<1x160xi32, #tpu.memory_space<vmem>>
      %dma_wait3A_748 = tpu.memref_squeeze %dma_wait3A_747 : memref<1x160xi32, #tpu.memory_space<vmem>> -> memref<160xi32, #tpu.memory_space<vmem>>
      %dma_wait3A_749 = arith.constant 0 : i32
      %dma_wait3A_750 = arith.constant 0 : i32
      %dma_wait3A_751 = tpu.memref_slice %arg3[%dma_wait3A_749, %dma_wait3A_750] : memref<100000x32xf32, #tpu.memory_space<hbm>> -> memref<100000x32xf32, #tpu.memory_space<hbm>>
      tpu.wait_indirect_dma semaphore(%arg9 : memref<!tpu.dma_semaphore, #tpu.memory_space<semaphore_mem>>) src(%dma_wait3A_751 : memref<100000x32xf32, #tpu.memory_space<hbm>>) dst(%dma_wait3A_745 : memref<160x32xf32, #tpu.memory_space<vmem>>)
      %dma_wait3A_752 = arith.constant 9 : i32
      %dma_wait3A_753 = arith.constant 1440 : i32
      %dma_wait3A_754 = arith.constant 0 : i32
      %dma_wait3A_755 = tpu.memref_slice %arg7[%dma_wait3A_753, %dma_wait3A_754] : memref<1600x32xf32, #tpu.memory_space<vmem>> -> memref<160x32xf32, #tpu.memory_space<vmem>>
      %dma_wait3A_756 = arith.constant 0 : i32
      %dma_wait3A_757 = tpu.memref_slice %arg5[%dma_wait3A_752, %dma_wait3A_756] : memref<10x160xi32, #tpu.memory_space<vmem>> -> memref<1x160xi32, #tpu.memory_space<vmem>>
      %dma_wait3A_758 = tpu.memref_squeeze %dma_wait3A_757 : memref<1x160xi32, #tpu.memory_space<vmem>> -> memref<160xi32, #tpu.memory_space<vmem>>
      %dma_wait3A_759 = arith.constant 0 : i32
      %dma_wait3A_760 = arith.constant 0 : i32
      %dma_wait3A_761 = tpu.memref_slice %arg3[%dma_wait3A_759, %dma_wait3A_760] : memref<100000x32xf32, #tpu.memory_space<hbm>> -> memref<100000x32xf32, #tpu.memory_space<hbm>>
      tpu.wait_indirect_dma semaphore(%arg9 : memref<!tpu.dma_semaphore, #tpu.memory_space<semaphore_mem>>) src(%dma_wait3A_761 : memref<100000x32xf32, #tpu.memory_space<hbm>>) dst(%dma_wait3A_755 : memref<160x32xf32, #tpu.memory_space<vmem>>)
      %mul3A_762 = arith.constant 1600 : i32
      %mul3A_763 = arith.muli %mul3A_439, %mul3A_762 : i32
      %add3A_764 = arith.addi %mul3A_6, %mul3A_763 : i32
      %dma_start3A_765 = arith.constant 0 : i32
      %dma_start3A_766 = tpu.memref_slice %arg4[%add3A_764, %dma_start3A_765] : memref<3276800x128xf32, #tpu.memory_space<hbm>> -> memref<1600x32xf32, #tpu.memory_space<hbm>>
      %dma_start3A_767 = arith.constant 0 : i32
      %dma_start3A_768 = tpu.memref_slice %arg4[%add3A_764, %dma_start3A_767] : memref<3276800x128xf32, #tpu.memory_space<hbm>> -> memref<1600x32xf32, #tpu.memory_space<hbm>>
      tpu.enqueue_dma source(%arg7 : memref<1600x32xf32, #tpu.memory_space<vmem>>) target(%dma_start3A_768 : memref<1600x32xf32, #tpu.memory_space<hbm>>) target_semaphore(%arg11 : memref<!tpu.dma_semaphore, #tpu.memory_space<semaphore_mem>>)
      %dma_wait3A_769 = arith.constant 0 : i32
      %dma_wait3A_770 = arith.constant 0 : i32
      %dma_wait3A_771 = arith.constant 0 : i32
      %dma_wait3A_772 = tpu.memref_slice %arg8[%dma_wait3A_770, %dma_wait3A_771] : memref<1600x32xf32, #tpu.memory_space<vmem>> -> memref<160x32xf32, #tpu.memory_space<vmem>>
      %dma_wait3A_773 = arith.constant 0 : i32
      %dma_wait3A_774 = tpu.memref_slice %arg6[%dma_wait3A_769, %dma_wait3A_773] : memref<10x160xi32, #tpu.memory_space<vmem>> -> memref<1x160xi32, #tpu.memory_space<vmem>>
      %dma_wait3A_775 = tpu.memref_squeeze %dma_wait3A_774 : memref<1x160xi32, #tpu.memory_space<vmem>> -> memref<160xi32, #tpu.memory_space<vmem>>
      %dma_wait3A_776 = arith.constant 0 : i32
      %dma_wait3A_777 = arith.constant 0 : i32
      %dma_wait3A_778 = tpu.memref_slice %arg3[%dma_wait3A_776, %dma_wait3A_777] : memref<100000x32xf32, #tpu.memory_space<hbm>> -> memref<100000x32xf32, #tpu.memory_space<hbm>>
      tpu.wait_indirect_dma semaphore(%arg10 : memref<!tpu.dma_semaphore, #tpu.memory_space<semaphore_mem>>) src(%dma_wait3A_778 : memref<100000x32xf32, #tpu.memory_space<hbm>>) dst(%dma_wait3A_772 : memref<160x32xf32, #tpu.memory_space<vmem>>)
      %dma_wait3A_779 = arith.constant 1 : i32
      %dma_wait3A_780 = arith.constant 160 : i32
      %dma_wait3A_781 = arith.constant 0 : i32
      %dma_wait3A_782 = tpu.memref_slice %arg8[%dma_wait3A_780, %dma_wait3A_781] : memref<1600x32xf32, #tpu.memory_space<vmem>> -> memref<160x32xf32, #tpu.memory_space<vmem>>
      %dma_wait3A_783 = arith.constant 0 : i32
      %dma_wait3A_784 = tpu.memref_slice %arg6[%dma_wait3A_779, %dma_wait3A_783] : memref<10x160xi32, #tpu.memory_space<vmem>> -> memref<1x160xi32, #tpu.memory_space<vmem>>
      %dma_wait3A_785 = tpu.memref_squeeze %dma_wait3A_784 : memref<1x160xi32, #tpu.memory_space<vmem>> -> memref<160xi32, #tpu.memory_space<vmem>>
      %dma_wait3A_786 = arith.constant 0 : i32
      %dma_wait3A_787 = arith.constant 0 : i32
      %dma_wait3A_788 = tpu.memref_slice %arg3[%dma_wait3A_786, %dma_wait3A_787] : memref<100000x32xf32, #tpu.memory_space<hbm>> -> memref<100000x32xf32, #tpu.memory_space<hbm>>
      tpu.wait_indirect_dma semaphore(%arg10 : memref<!tpu.dma_semaphore, #tpu.memory_space<semaphore_mem>>) src(%dma_wait3A_788 : memref<100000x32xf32, #tpu.memory_space<hbm>>) dst(%dma_wait3A_782 : memref<160x32xf32, #tpu.memory_space<vmem>>)
      %dma_wait3A_789 = arith.constant 2 : i32
      %dma_wait3A_790 = arith.constant 320 : i32
      %dma_wait3A_791 = arith.constant 0 : i32
      %dma_wait3A_792 = tpu.memref_slice %arg8[%dma_wait3A_790, %dma_wait3A_791] : memref<1600x32xf32, #tpu.memory_space<vmem>> -> memref<160x32xf32, #tpu.memory_space<vmem>>
      %dma_wait3A_793 = arith.constant 0 : i32
      %dma_wait3A_794 = tpu.memref_slice %arg6[%dma_wait3A_789, %dma_wait3A_793] : memref<10x160xi32, #tpu.memory_space<vmem>> -> memref<1x160xi32, #tpu.memory_space<vmem>>
      %dma_wait3A_795 = tpu.memref_squeeze %dma_wait3A_794 : memref<1x160xi32, #tpu.memory_space<vmem>> -> memref<160xi32, #tpu.memory_space<vmem>>
      %dma_wait3A_796 = arith.constant 0 : i32
      %dma_wait3A_797 = arith.constant 0 : i32
      %dma_wait3A_798 = tpu.memref_slice %arg3[%dma_wait3A_796, %dma_wait3A_797] : memref<100000x32xf32, #tpu.memory_space<hbm>> -> memref<100000x32xf32, #tpu.memory_space<hbm>>
      tpu.wait_indirect_dma semaphore(%arg10 : memref<!tpu.dma_semaphore, #tpu.memory_space<semaphore_mem>>) src(%dma_wait3A_798 : memref<100000x32xf32, #tpu.memory_space<hbm>>) dst(%dma_wait3A_792 : memref<160x32xf32, #tpu.memory_space<vmem>>)
      %dma_wait3A_799 = arith.constant 3 : i32
      %dma_wait3A_800 = arith.constant 480 : i32
      %dma_wait3A_801 = arith.constant 0 : i32
      %dma_wait3A_802 = tpu.memref_slice %arg8[%dma_wait3A_800, %dma_wait3A_801] : memref<1600x32xf32, #tpu.memory_space<vmem>> -> memref<160x32xf32, #tpu.memory_space<vmem>>
      %dma_wait3A_803 = arith.constant 0 : i32
      %dma_wait3A_804 = tpu.memref_slice %arg6[%dma_wait3A_799, %dma_wait3A_803] : memref<10x160xi32, #tpu.memory_space<vmem>> -> memref<1x160xi32, #tpu.memory_space<vmem>>
      %dma_wait3A_805 = tpu.memref_squeeze %dma_wait3A_804 : memref<1x160xi32, #tpu.memory_space<vmem>> -> memref<160xi32, #tpu.memory_space<vmem>>
      %dma_wait3A_806 = arith.constant 0 : i32
      %dma_wait3A_807 = arith.constant 0 : i32
      %dma_wait3A_808 = tpu.memref_slice %arg3[%dma_wait3A_806, %dma_wait3A_807] : memref<100000x32xf32, #tpu.memory_space<hbm>> -> memref<100000x32xf32, #tpu.memory_space<hbm>>
      tpu.wait_indirect_dma semaphore(%arg10 : memref<!tpu.dma_semaphore, #tpu.memory_space<semaphore_mem>>) src(%dma_wait3A_808 : memref<100000x32xf32, #tpu.memory_space<hbm>>) dst(%dma_wait3A_802 : memref<160x32xf32, #tpu.memory_space<vmem>>)
      %dma_wait3A_809 = arith.constant 4 : i32
      %dma_wait3A_810 = arith.constant 640 : i32
      %dma_wait3A_811 = arith.constant 0 : i32
      %dma_wait3A_812 = tpu.memref_slice %arg8[%dma_wait3A_810, %dma_wait3A_811] : memref<1600x32xf32, #tpu.memory_space<vmem>> -> memref<160x32xf32, #tpu.memory_space<vmem>>
      %dma_wait3A_813 = arith.constant 0 : i32
      %dma_wait3A_814 = tpu.memref_slice %arg6[%dma_wait3A_809, %dma_wait3A_813] : memref<10x160xi32, #tpu.memory_space<vmem>> -> memref<1x160xi32, #tpu.memory_space<vmem>>
      %dma_wait3A_815 = tpu.memref_squeeze %dma_wait3A_814 : memref<1x160xi32, #tpu.memory_space<vmem>> -> memref<160xi32, #tpu.memory_space<vmem>>
      %dma_wait3A_816 = arith.constant 0 : i32
      %dma_wait3A_817 = arith.constant 0 : i32
      %dma_wait3A_818 = tpu.memref_slice %arg3[%dma_wait3A_816, %dma_wait3A_817] : memref<100000x32xf32, #tpu.memory_space<hbm>> -> memref<100000x32xf32, #tpu.memory_space<hbm>>
      tpu.wait_indirect_dma semaphore(%arg10 : memref<!tpu.dma_semaphore, #tpu.memory_space<semaphore_mem>>) src(%dma_wait3A_818 : memref<100000x32xf32, #tpu.memory_space<hbm>>) dst(%dma_wait3A_812 : memref<160x32xf32, #tpu.memory_space<vmem>>)
      %dma_wait3A_819 = arith.constant 5 : i32
      %dma_wait3A_820 = arith.constant 800 : i32
      %dma_wait3A_821 = arith.constant 0 : i32
      %dma_wait3A_822 = tpu.memref_slice %arg8[%dma_wait3A_820, %dma_wait3A_821] : memref<1600x32xf32, #tpu.memory_space<vmem>> -> memref<160x32xf32, #tpu.memory_space<vmem>>
      %dma_wait3A_823 = arith.constant 0 : i32
      %dma_wait3A_824 = tpu.memref_slice %arg6[%dma_wait3A_819, %dma_wait3A_823] : memref<10x160xi32, #tpu.memory_space<vmem>> -> memref<1x160xi32, #tpu.memory_space<vmem>>
      %dma_wait3A_825 = tpu.memref_squeeze %dma_wait3A_824 : memref<1x160xi32, #tpu.memory_space<vmem>> -> memref<160xi32, #tpu.memory_space<vmem>>
      %dma_wait3A_826 = arith.constant 0 : i32
      %dma_wait3A_827 = arith.constant 0 : i32
      %dma_wait3A_828 = tpu.memref_slice %arg3[%dma_wait3A_826, %dma_wait3A_827] : memref<100000x32xf32, #tpu.memory_space<hbm>> -> memref<100000x32xf32, #tpu.memory_space<hbm>>
      tpu.wait_indirect_dma semaphore(%arg10 : memref<!tpu.dma_semaphore, #tpu.memory_space<semaphore_mem>>) src(%dma_wait3A_828 : memref<100000x32xf32, #tpu.memory_space<hbm>>) dst(%dma_wait3A_822 : memref<160x32xf32, #tpu.memory_space<vmem>>)
      %dma_wait3A_829 = arith.constant 6 : i32
      %dma_wait3A_830 = arith.constant 960 : i32
      %dma_wait3A_831 = arith.constant 0 : i32
      %dma_wait3A_832 = tpu.memref_slice %arg8[%dma_wait3A_830, %dma_wait3A_831] : memref<1600x32xf32, #tpu.memory_space<vmem>> -> memref<160x32xf32, #tpu.memory_space<vmem>>
      %dma_wait3A_833 = arith.constant 0 : i32
      %dma_wait3A_834 = tpu.memref_slice %arg6[%dma_wait3A_829, %dma_wait3A_833] : memref<10x160xi32, #tpu.memory_space<vmem>> -> memref<1x160xi32, #tpu.memory_space<vmem>>
      %dma_wait3A_835 = tpu.memref_squeeze %dma_wait3A_834 : memref<1x160xi32, #tpu.memory_space<vmem>> -> memref<160xi32, #tpu.memory_space<vmem>>
      %dma_wait3A_836 = arith.constant 0 : i32
      %dma_wait3A_837 = arith.constant 0 : i32
      %dma_wait3A_838 = tpu.memref_slice %arg3[%dma_wait3A_836, %dma_wait3A_837] : memref<100000x32xf32, #tpu.memory_space<hbm>> -> memref<100000x32xf32, #tpu.memory_space<hbm>>
      tpu.wait_indirect_dma semaphore(%arg10 : memref<!tpu.dma_semaphore, #tpu.memory_space<semaphore_mem>>) src(%dma_wait3A_838 : memref<100000x32xf32, #tpu.memory_space<hbm>>) dst(%dma_wait3A_832 : memref<160x32xf32, #tpu.memory_space<vmem>>)
      %dma_wait3A_839 = arith.constant 7 : i32
      %dma_wait3A_840 = arith.constant 1120 : i32
      %dma_wait3A_841 = arith.constant 0 : i32
      %dma_wait3A_842 = tpu.memref_slice %arg8[%dma_wait3A_840, %dma_wait3A_841] : memref<1600x32xf32, #tpu.memory_space<vmem>> -> memref<160x32xf32, #tpu.memory_space<vmem>>
      %dma_wait3A_843 = arith.constant 0 : i32
      %dma_wait3A_844 = tpu.memref_slice %arg6[%dma_wait3A_839, %dma_wait3A_843] : memref<10x160xi32, #tpu.memory_space<vmem>> -> memref<1x160xi32, #tpu.memory_space<vmem>>
      %dma_wait3A_845 = tpu.memref_squeeze %dma_wait3A_844 : memref<1x160xi32, #tpu.memory_space<vmem>> -> memref<160xi32, #tpu.memory_space<vmem>>
      %dma_wait3A_846 = arith.constant 0 : i32
      %dma_wait3A_847 = arith.constant 0 : i32
      %dma_wait3A_848 = tpu.memref_slice %arg3[%dma_wait3A_846, %dma_wait3A_847] : memref<100000x32xf32, #tpu.memory_space<hbm>> -> memref<100000x32xf32, #tpu.memory_space<hbm>>
      tpu.wait_indirect_dma semaphore(%arg10 : memref<!tpu.dma_semaphore, #tpu.memory_space<semaphore_mem>>) src(%dma_wait3A_848 : memref<100000x32xf32, #tpu.memory_space<hbm>>) dst(%dma_wait3A_842 : memref<160x32xf32, #tpu.memory_space<vmem>>)
      %dma_wait3A_849 = arith.constant 8 : i32
      %dma_wait3A_850 = arith.constant 1280 : i32
      %dma_wait3A_851 = arith.constant 0 : i32
      %dma_wait3A_852 = tpu.memref_slice %arg8[%dma_wait3A_850, %dma_wait3A_851] : memref<1600x32xf32, #tpu.memory_space<vmem>> -> memref<160x32xf32, #tpu.memory_space<vmem>>
      %dma_wait3A_853 = arith.constant 0 : i32
      %dma_wait3A_854 = tpu.memref_slice %arg6[%dma_wait3A_849, %dma_wait3A_853] : memref<10x160xi32, #tpu.memory_space<vmem>> -> memref<1x160xi32, #tpu.memory_space<vmem>>
      %dma_wait3A_855 = tpu.memref_squeeze %dma_wait3A_854 : memref<1x160xi32, #tpu.memory_space<vmem>> -> memref<160xi32, #tpu.memory_space<vmem>>
      %dma_wait3A_856 = arith.constant 0 : i32
      %dma_wait3A_857 = arith.constant 0 : i32
      %dma_wait3A_858 = tpu.memref_slice %arg3[%dma_wait3A_856, %dma_wait3A_857] : memref<100000x32xf32, #tpu.memory_space<hbm>> -> memref<100000x32xf32, #tpu.memory_space<hbm>>
      tpu.wait_indirect_dma semaphore(%arg10 : memref<!tpu.dma_semaphore, #tpu.memory_space<semaphore_mem>>) src(%dma_wait3A_858 : memref<100000x32xf32, #tpu.memory_space<hbm>>) dst(%dma_wait3A_852 : memref<160x32xf32, #tpu.memory_space<vmem>>)
      %dma_wait3A_859 = arith.constant 9 : i32
      %dma_wait3A_860 = arith.constant 1440 : i32
      %dma_wait3A_861 = arith.constant 0 : i32
      %dma_wait3A_862 = tpu.memref_slice %arg8[%dma_wait3A_860, %dma_wait3A_861] : memref<1600x32xf32, #tpu.memory_space<vmem>> -> memref<160x32xf32, #tpu.memory_space<vmem>>
      %dma_wait3A_863 = arith.constant 0 : i32
      %dma_wait3A_864 = tpu.memref_slice %arg6[%dma_wait3A_859, %dma_wait3A_863] : memref<10x160xi32, #tpu.memory_space<vmem>> -> memref<1x160xi32, #tpu.memory_space<vmem>>
      %dma_wait3A_865 = tpu.memref_squeeze %dma_wait3A_864 : memref<1x160xi32, #tpu.memory_space<vmem>> -> memref<160xi32, #tpu.memory_space<vmem>>
      %dma_wait3A_866 = arith.constant 0 : i32
      %dma_wait3A_867 = arith.constant 0 : i32
      %dma_wait3A_868 = tpu.memref_slice %arg3[%dma_wait3A_866, %dma_wait3A_867] : memref<100000x32xf32, #tpu.memory_space<hbm>> -> memref<100000x32xf32, #tpu.memory_space<hbm>>
      tpu.wait_indirect_dma semaphore(%arg10 : memref<!tpu.dma_semaphore, #tpu.memory_space<semaphore_mem>>) src(%dma_wait3A_868 : memref<100000x32xf32, #tpu.memory_space<hbm>>) dst(%dma_wait3A_862 : memref<160x32xf32, #tpu.memory_space<vmem>>)
      %mul3A_869 = arith.constant 1600 : i32
      %mul3A_870 = arith.muli %add3A_441, %mul3A_869 : i32
      %add3A_871 = arith.addi %mul3A_6, %mul3A_870 : i32
      %dma_start3A_872 = arith.constant 0 : i32
      %dma_start3A_873 = tpu.memref_slice %arg4[%add3A_871, %dma_start3A_872] : memref<3276800x128xf32, #tpu.memory_space<hbm>> -> memref<1600x32xf32, #tpu.memory_space<hbm>>
      %dma_start3A_874 = arith.constant 0 : i32
      %dma_start3A_875 = tpu.memref_slice %arg4[%add3A_871, %dma_start3A_874] : memref<3276800x128xf32, #tpu.memory_space<hbm>> -> memref<1600x32xf32, #tpu.memory_space<hbm>>
      tpu.enqueue_dma source(%arg8 : memref<1600x32xf32, #tpu.memory_space<vmem>>) target(%dma_start3A_875 : memref<1600x32xf32, #tpu.memory_space<hbm>>) target_semaphore(%arg12 : memref<!tpu.dma_semaphore, #tpu.memory_space<semaphore_mem>>)
    }
    %scan3A_424 = arith.constant 31 : i32
    %add3A_425 = arith.constant 0 : i32
    %add3A_426 = arith.addi %mul3A_6, %add3A_425 : i32
    %dma_wait3A_427 = arith.constant 0 : i32
    %dma_wait3A_428 = tpu.memref_slice %arg4[%add3A_426, %dma_wait3A_427] : memref<3276800x128xf32, #tpu.memory_space<hbm>> -> memref<1600x32xf32, #tpu.memory_space<hbm>>
    %dma_wait3A_429 = arith.constant 0 : i32
    %dma_wait3A_430 = tpu.memref_slice %arg4[%add3A_426, %dma_wait3A_429] : memref<3276800x128xf32, #tpu.memory_space<hbm>> -> memref<1600x32xf32, #tpu.memory_space<hbm>>
    tpu.wait_dma2 semaphore(%arg11 : memref<!tpu.dma_semaphore, #tpu.memory_space<semaphore_mem>>) src(%arg7 : memref<1600x32xf32, #tpu.memory_space<vmem>>) dst(%dma_wait3A_430 : memref<1600x32xf32, #tpu.memory_space<hbm>>)
    %add3A_431 = arith.constant 1600 : i32
    %add3A_432 = arith.addi %mul3A_6, %add3A_431 : i32
    %dma_wait3A_433 = arith.constant 0 : i32
    %dma_wait3A_434 = tpu.memref_slice %arg4[%add3A_432, %dma_wait3A_433] : memref<3276800x128xf32, #tpu.memory_space<hbm>> -> memref<1600x32xf32, #tpu.memory_space<hbm>>
    %dma_wait3A_435 = arith.constant 0 : i32
    %dma_wait3A_436 = tpu.memref_slice %arg4[%add3A_432, %dma_wait3A_435] : memref<3276800x128xf32, #tpu.memory_space<hbm>> -> memref<1600x32xf32, #tpu.memory_space<hbm>>
    tpu.wait_dma2 semaphore(%arg12 : memref<!tpu.dma_semaphore, #tpu.memory_space<semaphore_mem>>) src(%arg8 : memref<1600x32xf32, #tpu.memory_space<vmem>>) dst(%dma_wait3A_436 : memref<1600x32xf32, #tpu.memory_space<hbm>>)
    return
  }
}

</mosaic_0001>

<sc_bundles>
// kernel: kernel.3.cloned.1.call-start
scs
__scs_entry_jumppad:
0x0: {  	(pc) =	sbr.rel $0x88, $3  }
0x1: {  	(tag) =	ssettag $0x0;
	lr =	simm.s32 $0x1  }
0x2: {  	[smem:$0x3F9F] =	sst lr;
	_ =	strace $0xD0000000  }
0x3: {  	_ = 	snop  }
0x4: {  	_ = 	snop  }
0x5: {  	_ = 	snop  }
0x6: {  	_ = 	snop  }
0x7: {  	_ = 	snop  }
__scs_overlays_trampoline_lowered:
0x8: {  	[smem:$0x3FAE] =	sst s0  }
0x9: {  	[smem:$0x3FAF] =	sst s1  }
0xa: {  	[smem:$0x3FB0] =	sst s2  }
0xb: {  	[smem:$0x3FB1] =	sst s3  }
0xc: {  	[smem:$0x3FB2] =	sst s4  }
0xd: {  	[smem:$0x3FB3] =	sst s5  }
0xe: {  	[smem:$0x3FB4] =	sst s6  }
0xf: {  	[smem:$0x3FB5] =	sst s7  }
0x10: {  	[smem:$0x3FB6] =	sst s8  }
0x11: {  	[smem:$0x3FB7] =	sst s9;
	s0 =	simm.s32 @!p0 $0x0  }
0x12: {  	s1 =	sld [smem:$0x3F9D];
	s0 =	simm.s32 @p0 $0x1  }
0x13: {  	[smem:$0x3FB8] =	sst s0;
	s0 =	simm.s32 @!p1 $0x0  }
0x14: {  	s2 =	sld [smem:$0x3F9C];
	s0 =	simm.s32 @p1 $0x1  }
0x15: {  	[smem:$0x3FB9] =	sst s0;
	s0 =	simm.s32 @!p2 $0x0  }
0x16: {  	s3 =	sld [smem:$0x3FDB];
	s0 =	simm.s32 @p2 $0x1  }
0x17: {  	s4 =	simm.s32 $0x1BF5;
	[smem:$0x3FBB] =	sst s0  }
0x18: {  	s0 =	sld [smem:$0x3F9E];
	_ =	swait.ge [sflag:s4], $0x0  }
0x19: {  	s7 =	sld [smem:$0x3F9F]  }
0x1a: {  	s8 =	sadd.s32 $0xFFFFE003, lr  }
0x1b: {  	s9 =	sadd.s32 $0xFFFFFEF7, lr;
	s5 =	simm.s32 $0xFFFFFFFF;
	p2 =	slt.u32 s8, $0xFFFFF086  }
0x1c: {  	p1 =	slt.u32 s9, $0xF7A;
	s5 =	simm.s32 @!p2 $0x0  }
0x1d: {  	s5 =	simm.s32 @p1 $0x1;
	p0 =	seq.s32 s7, s2  }
0x1e: {  	s7 =	smul.u32 @!p0 $0xF7A, s2;
	p2 =	seq.s32 @!p0 s5, $0x0  }
0x1f: {  	s9 =	smul.u32 $0xF7A, s1;
	s8 =	simm.s32 @!p0 $0x1BF5;
	p2 =	por !p2, p0  }
0x20: {  	[sflag:s8] =	ssyncset.s32 @!p0 $0xFFFFF086;
	s6 =	sadd.s32 @!p0 s3, s7;
	s7 =	simm.s32 @!p0 $0x108  }
0x21: {  	s3 =	sadd.s32 s3, s9;
	s6 =	sadd.s32 @!p0 $0x88, s6;
	s7 =	simm.s32 @p2 $0x1082  }
0x22: {  	[simem:s7], [sflag:s8] =	dma.local @!p0 [hbm:s6], $0xF7A  }
0x23: {  	s9 =	sor.u32 $0xD0000000, s2;
	s6 =	simm.s32 $0x108;
	_ =	swait.ge @!p0 [sflag:s8], $0x0  }
0x24: {  	s3 =	sadd.s32 $0x88, s3;
	s6 =	simm.s32 @!p1 $0x1082;
	[sflag:s4] =	ssyncset.s32 $0xFFFFF086  }
0x25: {  	[simem:s6], [sflag:s4] =	dma.local [hbm:s3], $0xF7A  }
0x26: {  	[smem:$0x3F9F] =	sst s1;
	(tag) =	ssettag s2;
	_ =	strace s9  }
0x27: {  	s1 =	sld [smem:$0x3FAF]  }
0x28: {  	s2 =	sld [smem:$0x3FB0]  }
0x29: {  	s4 =	sld [smem:$0x3FB2]  }
0x2a: {  	p0 =	seq.s32 s5, $0x0;
	s5 =	sld [smem:$0x3FB3]  }
0x2b: {  	s6 =	sld [smem:$0x3FB4]  }
0x2c: {  	s7 =	sld [smem:$0x3FB5]  }
0x2d: {  	s3 =	simm.s32 $0x108;
	s8 =	sld [smem:$0x3FB6]  }
0x2e: {  	s3 =	simm.s32 @!p0 $0x1082;
	s9 =	sld [smem:$0x3FB7]  }
0x2f: {  	lr =	sadd.s32 s0, s3;
	s0 =	sld [smem:$0x3FAE]  }
0x30: {  	s3 =	sld [smem:$0x3FB1]  }
0x31: {  	[smem:$0x3FBA] =	sst s10  }
0x32: {  	s10 =	sld [smem:$0x3FB8];
	_ =	sdelay $0x3  }
0x33: {  	p0 =	seq.s32 s10, $0x1;
	s10 =	sld [smem:$0x3FBA];
	_ =	sdelay $0x3  }
0x34: {  	[smem:$0x3FBA] =	sst s10  }
0x35: {  	s10 =	sld [smem:$0x3FB9];
	_ =	sdelay $0x3  }
0x36: {  	p1 =	seq.s32 s10, $0x1;
	s10 =	sld [smem:$0x3FBA];
	_ =	sdelay $0x3  }
0x37: {  	[smem:$0x3FBA] =	sst s10  }
0x38: {  	s10 =	sld [smem:$0x3FBB]  }
0x39: {  	_ = 	snop;
	(pc) =	sbr.ind lr, $3  }
0x3a: {  	_ = 	snop  }
0x3b: {  	_ = 	snop  }
0x3c: {  	p2 =	seq.s32 s10, $0x1;
	s10 =	sld [smem:$0x3FBA]  }
0x3d: {  	_ =	shalt  }
0x3e: {  	_ =	shalt  }
0x3f: {  	_ =	shalt  }
0x40: {  	_ =	shalt  }
0x41: {  	_ =	shalt  }
0x42: {  	_ =	shalt  }
0x43: {  	_ =	shalt  }
0x44: {  	_ =	shalt  }
0x45: {  	_ =	shalt  }
0x46: {  	_ =	shalt  }
0x47: {  	_ =	shalt  }
0x48: {  	_ =	shalt  }
0x49: {  	_ =	shalt  }
0x4a: {  	_ =	shalt  }
0x4b: {  	_ =	shalt  }
0x4c: {  	_ =	shalt  }
0x4d: {  	_ =	shalt  }
0x4e: {  	_ =	shalt  }
0x4f: {  	_ =	shalt  }
0x50: {  	_ =	shalt  }
0x51: {  	_ =	shalt  }
0x52: {  	_ =	shalt  }
0x53: {  	_ =	shalt  }
0x54: {  	_ =	shalt  }
0x55: {  	_ =	shalt  }
0x56: {  	_ =	shalt  }
0x57: {  	_ =	shalt  }
0x58: {  	_ =	shalt  }
0x59: {  	_ =	shalt  }
0x5a: {  	_ =	shalt  }
0x5b: {  	_ =	shalt  }
0x5c: {  	_ =	shalt  }
0x5d: {  	_ =	shalt  }
0x5e: {  	_ =	shalt  }
0x5f: {  	_ =	shalt  }
0x60: {  	_ =	shalt  }
0x61: {  	_ =	shalt  }
0x62: {  	_ =	shalt  }
0x63: {  	_ =	shalt  }
0x64: {  	_ =	shalt  }
0x65: {  	_ =	shalt  }
0x66: {  	_ =	shalt  }
0x67: {  	_ =	shalt  }
0x68: {  	_ =	shalt  }
0x69: {  	_ =	shalt  }
0x6a: {  	_ =	shalt  }
0x6b: {  	_ =	shalt  }
0x6c: {  	_ =	shalt  }
0x6d: {  	_ =	shalt  }
0x6e: {  	_ =	shalt  }
0x6f: {  	_ =	shalt  }
0x70: {  	_ =	shalt  }
0x71: {  	_ =	shalt  }
0x72: {  	_ =	shalt  }
0x73: {  	_ =	shalt  }
0x74: {  	_ =	shalt  }
0x75: {  	_ =	shalt  }
0x76: {  	_ =	shalt  }
0x77: {  	_ =	shalt  }
0x78: {  	_ =	shalt  }
0x79: {  	_ =	shalt  }
0x7a: {  	_ =	shalt  }
0x7b: {  	_ =	shalt  }
0x7c: {  	_ =	shalt  }
0x7d: {  	_ =	shalt  }
0x7e: {  	_ =	shalt  }
0x7f: {  	_ =	shalt  }
0x80: {  	_ =	shalt  }
0x81: {  	_ =	shalt  }
0x82: {  	_ =	shalt  }
0x83: {  	_ =	shalt  }
0x84: {  	_ =	shalt  }
0x85: {  	_ =	shalt  }
0x86: {  	_ =	shalt  }
0x87: {  	_ =	shalt  }
.Lfunc_end0:
.L_simem_size_0:
called_computation.1_lowered:
.L_overlay_start_0:
0x88: {  	s2 =	sld [smem:$0x3FD9]  }
0x89: {  	s3 =	sld [smem:$0x3FFE];
	_ =	sdelay $0x1  }
0x8a: {  	s1 =	srdreg.scid  }
0x8b: {  	s0 =	sand.u32 $0x1, s1  }
0x8c: {  	s16 =	sshll.u32 s0, $0xA;
	s2 =	sadd.s32 s3, s2  }
0x8d: {  	s2 =	sadd.s32 s2, s16  }
0x8e: {  	[smem:$0x3FC6] =	sst s2  }
0x8f: {  	_ = 	snop  }
0x90: {  	(tm) =	ssettm $0x1  }
0x91: {  	s17 =	sld [smem:$0x3FFB];
	_ =	sdelay $0x3  }
0x92: {  	_ =	strace s17  }
0x93: {  	s2 =	sld [smem:$0x3FFC];
	_ =	sdelay $0x3  }
0x94: {  	_ =	strace s2  }
0x95: {  	s2 =	sld [smem:$0x3FFD];
	_ =	sdelay $0x3  }
0x96: {  	_ =	strace s2  }
0x97: {  	_ =	strace $0x8FFFFFFF  }
0x98: {  	s18 =	sld [smem:$0x3FDB];
	_ =	sdelay $0x1  }
0x99: {  	s19 =	simm.s32 $_scs_section_size  }
0x9a: {  	s4 =	simm.s32 $_size__tile_overlayer_lowered;
	s5 =	simm.s32 $_tile_overlayer_lowered  }
0x9b: {  	s22 =	simm.s32 $0x1BFF;
	s21 =	sshll.u32 s5, $0x1;
	s2 =	sadd.s32 s19, s18  }
0x9c: {  	s6 =	simm.s32 $0x0;
	s20 =	sshll.u32 s4, $0x1;
	s4 =	sadd.s32 s21, s2  }
0x9d: {  	[timem:s6], [sflag:s22] =	dma.local [hbm:s4], s20  }
0x9e: {  	_ =	swait.ge [sflag:s22], s20  }
0x9f: {  	s3 =	ssub.s32 $0x0, s20;
	[sflag:s22] =	ssyncset.done $0x0  }
0xa0: {  	[sflag:s22] =	ssyncadd.s32 s3;
	_ =	sdelay $0x1  }
0xa1: {  	s23 =	simm.s32 $0x1B8B  }
0xa2: {  	_ =	swait.ge [sflag:s23], $0x1  }
0xa3: {  	[sflag:s23] =	ssyncset.done $0x0  }
0xa4: {  	s25 =	simm.s32 $0x1B8E;
	s24 =	sld [smem:$0x3FFE];
	[sflag:s23] =	ssyncadd.s32 $0xFFFFFFFF  }
0xa5: {  	s26 =	simm.s32 $execute0_lowered;
	[smem:$0x3FD2] =	sst s25  }
0xa6: {  	s4 =	sshll.u32 s26, $0x1;
	_ =	strace $0x80000046;
	[dreg:$0x1] =	wrdreg $0xFFFFFFFF  }
0xa7: {  	s28 =	simm.s32 $_size_execute0_lowered;
	s2 =	sadd.s32 s2, s4;
	[dreg:$0x0] =	wrdreg $0x0  }
0xa8: {  	s4 =	sshll.u32 s28, $0x1;
	[dreg:$0x2] =	wrdreg s2  }
0xa9: {  	[dreg:$0x3] =	wrdreg s4  }
0xaa: {  	[dreg:$0x4] =	wrdreg $0xC0  }
0xab: {  	_ =	task [dreg:s6], $0x5FFFF  }
0xac: {  	[dreg:$0x1] =	wrdreg $0xFFFFFFFF  }
0xad: {  	[dreg:$0x0] =	wrdreg $0x60  }
0xae: {  	[dreg:$0x2] =	wrdreg s24  }
0xaf: {  	[dreg:$0x3] =	wrdreg $0x9  }
0xb0: {  	_ =	task.clear_ibuf [dreg:s6], $0x4FFFF;
	_ =	strace $0x90000046  }
0xb1: {  	s29 =	simm.s32 $0x9;
	_ =	strace $0x80000048  }
0xb2: {  	_ =	swait.ge [sflag:s29], $0x1  }
0xb3: {  	[sflag:s29] =	ssyncadd.s32 $0xFFFFFFFF  }
0xb4: {  	_ =	strace $0x90000048  }
0xb5: {  	_ =	sfence  }
0xb6: {  	s30 =	sld [smem:$0x0];
	_ =	sdelay $0x2  }
0xb7: {  	s31 =	sshll.u32 s1, $0xD;
	s1 =	sshrl.u32 s1, $0x2  }
0xb8: {  	s3 =	sand.u32 $0x4000, s31;
	s1 =	sadd.s32 s1, s30  }
0xb9: {  	s0 =	sor.u32 s3, s0;
	s1 =	sshll.u32 s1, $0x11  }
0xba: {  	s0 =	sor.u32 s1, s0  }
0xbb: {  	s0 =	sadd.s32 $0x8F2B, s0  }
0xbc: {  	[sflag:s0] =	ssyncadd.remote.s32 $0x1  }
0xbd: {  	_ =	sfence.sel $0xFFFF  }
0xbe: {  	[dreg:$0x0] =	wrdreg $0xFFFFFFFF;
	(pc) =	sbr.abs _section_cstart, $3  }
0xbf: {  	[dreg:$0x1] =	wrdreg $0xFFFFFFFF  }
0xc0: {  	_ =	task.clear_ibuf [dreg:s6], $0x2FFFF;
	_ =	strace $0x9FFFFFFF  }
0xc1: {  	(tm) =	ssettm $0x7FFFFFFF  }
tec
execute0_lowered:
.L_overlay_start_1:
0x0: {  	(tag) =	ssettag $0x1  }
0x1: {  	s0 =	rddreg [dreg:$0x0];
	s1 =	srdreg.scid  }
0x2: {  	s11 =	stileid.u32;
	s2 =	simm.s32 $0x0;
	s12 =	simm.s32 $0xC80  }
0x3: {  	s31 =	simm.s32 $0x640;
	s28 =	simm.s32 $0x2;
	s29 =	simm.s32 $0x3  }
0x4: {  	s30 =	simm.s32 $0x4;
	s15 =	simm.s32 $0x3480;
	s17 =	simm.s32 $0x4880  }
0x5: {  	s19 =	simm.s32 $0x5C80;
	s1 =	sand.u32 $0x1, s1;
	s8 =	smul.u32 $0x32000, s11  }
0x6: {  	s3 =	sshll.u32 s11, $0x1;
	[smem:$0x7FF] =	sst s2;
	s21 =	smul.u32 $0x6400, s11  }
0x7: {  	s5 =	sadd.s32 $0x1800, s0;
	s11 =	simm.s32 $0xA0;
	s10 =	smul.u32 $0x19000, s1  }
0x8: {  	s4 =	sor.u32 s1, s3;
	s7 =	ssub.s32 $0x2, s1;
	s1 =	smul.u32 $0x3200, s1  }
0x9: {  	_ =	strace $0x80000047;
	s3 =	sadd.s32 $0x65800, s0;
	s6 =	smul.u32 $0x3200, s4  }
0xa: {  	s0 =	sadd.s32 $0xC7400, s0;
	s9 =	sshrl.u32 s7, $0x1;
	s4 =	smul.u32 $0x190000, s4  }
0xb: {  	s7 =	ssub.s32 s7, s9;
	s8 =	sadd.s32 s10, s8;
	s10 =	simm.s32 $0x5  }
0xc: {  	s6 =	sadd.s32 s5, s6;
	s22 =	sadd.s32 s0, s4;
	s23 =	sshll.u32 s8, $0x4  }
0xd: {  	s5 =	sadd.s32 s21, s5;
	s25 =	smax.u32 s7, $0x1;
	[dreg:$0x4] =	wrdreg s6  }
0xe: {  	s4 =	simm.s32 $0x0;
	s21 =	simm.s32 $0x7080;
	[dreg:$0x6] =	wrdreg s22  }
0xf: {  	s6 =	sadd.s32 $0xC8, s6;
	s24 =	sadd.s32 $0x6400, s22;
	[dreg:$0x8] =	wrdreg s25  }
0x10: {  	s0 =	sadd.s32 s0, s23;
	s1 =	sadd.s32 s1, s5;
	[dreg:$0x5] =	wrdreg s6  }
0x11: {  	s25 =	simm.s32 $0x20;
	[dreg:$0x7] =	wrdreg s24;
	s1 =	sadd.s32 $0x190, s1  }
0x12: {  	s23 =	simm.s32 $0x8480;
	s26 =	sadd.s32 $0xC800, s0;
	[dreg:$0x9] =	wrdreg s1  }
0x13: {  	s0 =	sadd.s32 $0x12C00, s0;
	s24 =	simm.s32 $0x1;
	[dreg:$0x2] =	wrdreg s26  }
0x14: {  	[dreg:$0x3] =	wrdreg s0;
	s0 =	simm.s32 $0xD480;
	s26 =	simm.s32 $0x80  }
.LBB2_1:
0x15: {  	[dreg:$0xa] =	wrdreg s4  }
0x16: {  	s1 =	rddreg [dreg:$0x4]  }
0x17: {  	[tilespmem:s2], [sflag:$0x5] =	stream.linear.gather [hbm4b:s1+s2], $0x640, $0x38;
	[tilespmem:$0x19C80] =	vst v63  }
0x18: {  	_ =	swait.ge [sflag:s10], $0x640  }
0x19: {  	[sflag:s10] =	ssyncset.done $0x0  }
0x1a: {  	[sflag:s10] =	ssyncadd.s32 $0xFFFFF9C0  }
0x1b: {  	[tilespmem:s12], [sflag:$0x1] =	stream.indirect.gather [hbm4b:s3+s11], $0x20, s2, s11, $0xb8;
	[tilespmem:$0x19C80] =	vst v63  }
0x1c: {  	s14 =	simm.s32 $0x2080  }
0x1d: {  	[tilespmem:s14], [sflag:$0x1] =	stream.indirect.gather [hbm4b:s3+s11], $0x20, s11, s11, $0xb8;
	[tilespmem:$0x19C80] =	vst v63  }
0x1e: {  	s16 =	simm.s32 $0x140;
	s7 =	simm.s32 $0x3480  }
0x1f: {  	[tilespmem:s7], [sflag:$0x1] =	stream.indirect.gather [hbm4b:s3+s11], $0x20, s16, s11, $0xb8;
	[tilespmem:$0x19C80] =	vst v63  }
0x20: {  	s18 =	simm.s32 $0x1E0;
	s9 =	simm.s32 $0x4880  }
0x21: {  	[tilespmem:s9], [sflag:$0x1] =	stream.indirect.gather [hbm4b:s3+s11], $0x20, s18, s11, $0xb8;
	[tilespmem:$0x19C80] =	vst v63  }
0x22: {  	s20 =	simm.s32 $0x280;
	s4 =	simm.s32 $0x5C80  }
0x23: {  	[tilespmem:s4], [sflag:$0x1] =	stream.indirect.gather [hbm4b:s3+s11], $0x20, s20, s11, $0xb8;
	[tilespmem:$0x19C80] =	vst v63  }
0x24: {  	s22 =	simm.s32 $0x320;
	s5 =	simm.s32 $0x7080  }
0x25: {  	[tilespmem:s5], [sflag:$0x1] =	stream.indirect.gather [hbm4b:s3+s11], $0x20, s22, s11, $0xb8;
	[tilespmem:$0x19C80] =	vst v63  }
0x26: {  	s6 =	simm.s32 $0x3C0;
	s8 =	simm.s32 $0x8480  }
0x27: {  	[tilespmem:s8], [sflag:$0x1] =	stream.indirect.gather [hbm4b:s3+s11], $0x20, s6, s11, $0xb8;
	[tilespmem:$0x19C80] =	vst v63  }
0x28: {  	s13 =	simm.s32 $0x460;
	s6 =	simm.s32 $0x9880  }
0x29: {  	[tilespmem:s6], [sflag:$0x1] =	stream.indirect.gather [hbm4b:s3+s11], $0x20, s13, s11, $0xb8;
	[tilespmem:$0x19C80] =	vst v63  }
0x2a: {  	s6 =	simm.s32 $0x500;
	s13 =	simm.s32 $0xAC80  }
0x2b: {  	[tilespmem:s13], [sflag:$0x1] =	stream.indirect.gather [hbm4b:s3+s11], $0x20, s6, s11, $0xb8;
	[tilespmem:$0x19C80] =	vst v63  }
0x2c: {  	s6 =	simm.s32 $0x5A0;
	s13 =	simm.s32 $0xC080  }
0x2d: {  	[tilespmem:s13], [sflag:$0x1] =	stream.indirect.gather [hbm4b:s3+s11], $0x20, s6, s11, $0xb8;
	[tilespmem:$0x19C80] =	vst v63  }
0x2e: {  	s13 =	rddreg [dreg:$0x5]  }
0x2f: {  	[tilespmem:s31], [sflag:$0x5] =	stream.linear.gather [hbm4b:s13+s2], $0x640, $0x38;
	[tilespmem:$0x19C80] =	vst v63  }
0x30: {  	_ =	swait.ge [sflag:s10], $0x640  }
0x31: {  	[sflag:s10] =	ssyncset.done $0x0  }
0x32: {  	[sflag:s10] =	ssyncadd.s32 $0xFFFFF9C0  }
0x33: {  	[tilespmem:s0], [sflag:$0x2] =	stream.indirect.gather [hbm4b:s3+s11], $0x20, s31, s11, $0xb8;
	[tilespmem:$0x19C80] =	vst v63  }
0x34: {  	s6 =	simm.s32 $0x6E0;
	s13 =	simm.s32 $0xE880  }
0x35: {  	[tilespmem:s13], [sflag:$0x2] =	stream.indirect.gather [hbm4b:s3+s11], $0x20, s6, s11, $0xb8;
	[tilespmem:$0x19C80] =	vst v63  }
0x36: {  	s1 =	simm.s32 $0x780;
	s6 =	simm.s32 $0xFC80  }
0x37: {  	[tilespmem:s6], [sflag:$0x2] =	stream.indirect.gather [hbm4b:s3+s11], $0x20, s1, s11, $0xb8;
	[tilespmem:$0x19C80] =	vst v63  }
0x38: {  	s1 =	simm.s32 $0x820;
	s6 =	simm.s32 $0x11080  }
0x39: {  	[tilespmem:s6], [sflag:$0x2] =	stream.indirect.gather [hbm4b:s3+s11], $0x20, s1, s11, $0xb8;
	[tilespmem:$0x19C80] =	vst v63  }
0x3a: {  	s1 =	simm.s32 $0x8C0;
	s6 =	simm.s32 $0x12480  }
0x3b: {  	[tilespmem:s6], [sflag:$0x2] =	stream.indirect.gather [hbm4b:s3+s11], $0x20, s1, s11, $0xb8;
	[tilespmem:$0x19C80] =	vst v63  }
0x3c: {  	s1 =	simm.s32 $0x960;
	s6 =	simm.s32 $0x13880  }
0x3d: {  	[tilespmem:s6], [sflag:$0x2] =	stream.indirect.gather [hbm4b:s3+s11], $0x20, s1, s11, $0xb8;
	[tilespmem:$0x19C80] =	vst v63  }
0x3e: {  	s1 =	simm.s32 $0xA00;
	s6 =	simm.s32 $0x14C80  }
0x3f: {  	[tilespmem:s6], [sflag:$0x2] =	stream.indirect.gather [hbm4b:s3+s11], $0x20, s1, s11, $0xb8;
	[tilespmem:$0x19C80] =	vst v63  }
0x40: {  	s1 =	simm.s32 $0xAA0;
	s6 =	simm.s32 $0x16080  }
0x41: {  	[tilespmem:s6], [sflag:$0x2] =	stream.indirect.gather [hbm4b:s3+s11], $0x20, s1, s11, $0xb8;
	[tilespmem:$0x19C80] =	vst v63  }
0x42: {  	s1 =	simm.s32 $0xB40;
	s6 =	simm.s32 $0x17480  }
0x43: {  	[tilespmem:s6], [sflag:$0x2] =	stream.indirect.gather [hbm4b:s3+s11], $0x20, s1, s11, $0xb8;
	[tilespmem:$0x19C80] =	vst v63  }
0x44: {  	s1 =	simm.s32 $0xBE0;
	s6 =	simm.s32 $0x18880  }
0x45: {  	[tilespmem:s6], [sflag:$0x2] =	stream.indirect.gather [hbm4b:s3+s11], $0x20, s1, s11, $0xb8;
	[tilespmem:$0x19C80] =	vst v63  }
0x46: {  	_ =	swait.ge [sflag:s24], $0x1400  }
0x47: {  	[sflag:s24] =	ssyncset.done $0x0  }
0x48: {  	[sflag:s24] =	ssyncadd.s32 $0xFFFFEC00  }
0x49: {  	_ =	swait.ge [sflag:s24], $0x1400  }
0x4a: {  	[sflag:s24] =	ssyncset.done $0x0  }
0x4b: {  	[sflag:s24] =	ssyncadd.s32 $0xFFFFEC00  }
0x4c: {  	_ =	swait.ge [sflag:s24], $0x1400  }
0x4d: {  	[sflag:s24] =	ssyncset.done $0x0  }
0x4e: {  	[sflag:s24] =	ssyncadd.s32 $0xFFFFEC00  }
0x4f: {  	_ =	swait.ge [sflag:s24], $0x1400  }
0x50: {  	[sflag:s24] =	ssyncset.done $0x0  }
0x51: {  	[sflag:s24] =	ssyncadd.s32 $0xFFFFEC00  }
0x52: {  	_ =	swait.ge [sflag:s24], $0x1400  }
0x53: {  	[sflag:s24] =	ssyncset.done $0x0  }
0x54: {  	[sflag:s24] =	ssyncadd.s32 $0xFFFFEC00  }
0x55: {  	_ =	swait.ge [sflag:s24], $0x1400  }
0x56: {  	[sflag:s24] =	ssyncset.done $0x0  }
0x57: {  	[sflag:s24] =	ssyncadd.s32 $0xFFFFEC00  }
0x58: {  	_ =	swait.ge [sflag:s24], $0x1400  }
0x59: {  	[sflag:s24] =	ssyncset.done $0x0  }
0x5a: {  	[sflag:s24] =	ssyncadd.s32 $0xFFFFEC00  }
0x5b: {  	_ =	swait.ge [sflag:s24], $0x1400  }
0x5c: {  	[sflag:s24] =	ssyncset.done $0x0  }
0x5d: {  	[sflag:s24] =	ssyncadd.s32 $0xFFFFEC00  }
0x5e: {  	_ =	swait.ge [sflag:s24], $0x1400  }
0x5f: {  	[sflag:s24] =	ssyncset.done $0x0  }
0x60: {  	[sflag:s24] =	ssyncadd.s32 $0xFFFFEC00  }
0x61: {  	_ =	swait.ge [sflag:s24], $0x1400  }
0x62: {  	[sflag:s24] =	ssyncset.done $0x0  }
0x63: {  	s6 =	rddreg [dreg:$0x6];
	[sflag:s24] =	ssyncadd.s32 $0xFFFFEC00  }
0x64: {  	[hbm4b:s6+s25] =	stream.strided.scatter [tilespmem:s12], [sflag:$0x3], $0xC800, s26, s25, $0x38;
	[tilespmem:$0x19C80] =	vst v63  }
0x65: {  	_ =	swait.ge [sflag:s28], $0x1400  }
0x66: {  	[sflag:s28] =	ssyncset.done $0x0  }
0x67: {  	[sflag:s28] =	ssyncadd.s32 $0xFFFFEC00  }
0x68: {  	_ =	swait.ge [sflag:s28], $0x1400  }
0x69: {  	[sflag:s28] =	ssyncset.done $0x0  }
0x6a: {  	[sflag:s28] =	ssyncadd.s32 $0xFFFFEC00  }
0x6b: {  	_ =	swait.ge [sflag:s28], $0x1400  }
0x6c: {  	[sflag:s28] =	ssyncset.done $0x0  }
0x6d: {  	[sflag:s28] =	ssyncadd.s32 $0xFFFFEC00  }
0x6e: {  	_ =	swait.ge [sflag:s28], $0x1400  }
0x6f: {  	[sflag:s28] =	ssyncset.done $0x0  }
0x70: {  	[sflag:s28] =	ssyncadd.s32 $0xFFFFEC00  }
0x71: {  	_ =	swait.ge [sflag:s28], $0x1400  }
0x72: {  	[sflag:s28] =	ssyncset.done $0x0  }
0x73: {  	[sflag:s28] =	ssyncadd.s32 $0xFFFFEC00  }
0x74: {  	_ =	swait.ge [sflag:s28], $0x1400  }
0x75: {  	[sflag:s28] =	ssyncset.done $0x0  }
0x76: {  	[sflag:s28] =	ssyncadd.s32 $0xFFFFEC00  }
0x77: {  	_ =	swait.ge [sflag:s28], $0x1400  }
0x78: {  	[sflag:s28] =	ssyncset.done $0x0  }
0x79: {  	[sflag:s28] =	ssyncadd.s32 $0xFFFFEC00  }
0x7a: {  	_ =	swait.ge [sflag:s28], $0x1400  }
0x7b: {  	[sflag:s28] =	ssyncset.done $0x0  }
0x7c: {  	[sflag:s28] =	ssyncadd.s32 $0xFFFFEC00  }
0x7d: {  	_ =	swait.ge [sflag:s28], $0x1400  }
0x7e: {  	[sflag:s28] =	ssyncset.done $0x0  }
0x7f: {  	[sflag:s28] =	ssyncadd.s32 $0xFFFFEC00  }
0x80: {  	_ =	swait.ge [sflag:s28], $0x1400  }
0x81: {  	[sflag:s28] =	ssyncset.done $0x0  }
0x82: {  	s6 =	rddreg [dreg:$0x7];
	[sflag:s28] =	ssyncadd.s32 $0xFFFFEC00  }
0x83: {  	[hbm4b:s6+s25] =	stream.strided.scatter [tilespmem:s0], [sflag:$0x4], $0xC800, s26, s25, $0x38;
	[tilespmem:$0x19C80] =	vst v63  }
0x84: {  	s1 =	rddreg [dreg:$0x2];
	_ =	swait.ge [sflag:s29], $0xC800  }
0x85: {  	[sflag:s29] =	ssyncset.done $0x0  }
0x86: {  	s6 =	rddreg [dreg:$0x9];
	[sflag:s29] =	ssyncadd.s32 $0xFFFF3800  }
0x87: {  	[tilespmem:s2], [sflag:$0x5] =	stream.linear.gather [hbm4b:s6+s2], $0x640, $0x38;
	[tilespmem:$0x19C80] =	vst v63  }
0x88: {  	_ =	swait.ge [sflag:s10], $0x640  }
0x89: {  	[sflag:s10] =	ssyncset.done $0x0  }
0x8a: {  	[sflag:s10] =	ssyncadd.s32 $0xFFFFF9C0  }
0x8b: {  	[tilespmem:s12], [sflag:$0x1] =	stream.indirect.gather [hbm4b:s3+s11], $0x20, s2, s11, $0xb8;
	[tilespmem:$0x19C80] =	vst v63  }
0x8c: {  	_ = 	snop  }
0x8d: {  	[tilespmem:s14], [sflag:$0x1] =	stream.indirect.gather [hbm4b:s3+s11], $0x20, s11, s11, $0xb8;
	[tilespmem:$0x19C80] =	vst v63  }
0x8e: {  	_ = 	snop  }
0x8f: {  	[tilespmem:s7], [sflag:$0x1] =	stream.indirect.gather [hbm4b:s3+s11], $0x20, s16, s11, $0xb8;
	[tilespmem:$0x19C80] =	vst v63  }
0x90: {  	_ = 	snop  }
0x91: {  	[tilespmem:s9], [sflag:$0x1] =	stream.indirect.gather [hbm4b:s3+s11], $0x20, s18, s11, $0xb8;
	[tilespmem:$0x19C80] =	vst v63  }
0x92: {  	_ = 	snop  }
0x93: {  	[tilespmem:s4], [sflag:$0x1] =	stream.indirect.gather [hbm4b:s3+s11], $0x20, s20, s11, $0xb8;
	[tilespmem:$0x19C80] =	vst v63  }
0x94: {  	_ = 	snop  }
0x95: {  	[tilespmem:s5], [sflag:$0x1] =	stream.indirect.gather [hbm4b:s3+s11], $0x20, s22, s11, $0xb8;
	[tilespmem:$0x19C80] =	vst v63  }
0x96: {  	s7 =	simm.s32 $0x3C0  }
0x97: {  	[tilespmem:s8], [sflag:$0x1] =	stream.indirect.gather [hbm4b:s3+s11], $0x20, s7, s11, $0xb8;
	[tilespmem:$0x19C80] =	vst v63  }
0x98: {  	s9 =	simm.s32 $0x9880;
	s8 =	simm.s32 $0x460  }
0x99: {  	[tilespmem:s9], [sflag:$0x1] =	stream.indirect.gather [hbm4b:s3+s11], $0x20, s8, s11, $0xb8;
	[tilespmem:$0x19C80] =	vst v63  }
0x9a: {  	s5 =	simm.s32 $0x500;
	s7 =	simm.s32 $0xAC80  }
0x9b: {  	[tilespmem:s7], [sflag:$0x1] =	stream.indirect.gather [hbm4b:s3+s11], $0x20, s5, s11, $0xb8;
	[tilespmem:$0x19C80] =	vst v63  }
0x9c: {  	s8 =	simm.s32 $0x5A0;
	s9 =	simm.s32 $0xC080  }
0x9d: {  	[tilespmem:s9], [sflag:$0x1] =	stream.indirect.gather [hbm4b:s3+s11], $0x20, s8, s11, $0xb8;
	[tilespmem:$0x19C80] =	vst v63  }
0x9e: {  	s4 =	rddreg [dreg:$0x3];
	_ =	swait.ge [sflag:s30], $0xC800  }
0x9f: {  	[sflag:s30] =	ssyncset.done $0x0  }
0xa0: {  	s8 =	sadd.s32 $0xC8, s6;
	[sflag:s30] =	ssyncadd.s32 $0xFFFF3800  }
0xa1: {  	[tilespmem:s31], [sflag:$0x5] =	stream.linear.gather [hbm4b:s8+s2], $0x640, $0x38;
	[tilespmem:$0x19C80] =	vst v63  }
0xa2: {  	_ =	swait.ge [sflag:s10], $0x640  }
0xa3: {  	[sflag:s10] =	ssyncset.done $0x0  }
0xa4: {  	[sflag:s10] =	ssyncadd.s32 $0xFFFFF9C0  }
0xa5: {  	[tilespmem:s0], [sflag:$0x2] =	stream.indirect.gather [hbm4b:s3+s11], $0x20, s31, s11, $0xb8;
	[tilespmem:$0x19C80] =	vst v63  }
0xa6: {  	s9 =	simm.s32 $0x6E0  }
0xa7: {  	[tilespmem:s13], [sflag:$0x2] =	stream.indirect.gather [hbm4b:s3+s11], $0x20, s9, s11, $0xb8;
	[tilespmem:$0x19C80] =	vst v63  }
0xa8: {  	s7 =	simm.s32 $0x780;
	s8 =	simm.s32 $0xFC80  }
0xa9: {  	[tilespmem:s8], [sflag:$0x2] =	stream.indirect.gather [hbm4b:s3+s11], $0x20, s7, s11, $0xb8;
	[tilespmem:$0x19C80] =	vst v63  }
0xaa: {  	s9 =	simm.s32 $0x820;
	s13 =	simm.s32 $0x11080  }
0xab: {  	[tilespmem:s13], [sflag:$0x2] =	stream.indirect.gather [hbm4b:s3+s11], $0x20, s9, s11, $0xb8;
	[tilespmem:$0x19C80] =	vst v63  }
0xac: {  	s7 =	simm.s32 $0x8C0;
	s8 =	simm.s32 $0x12480  }
0xad: {  	[tilespmem:s8], [sflag:$0x2] =	stream.indirect.gather [hbm4b:s3+s11], $0x20, s7, s11, $0xb8;
	[tilespmem:$0x19C80] =	vst v63  }
0xae: {  	s9 =	simm.s32 $0x960;
	s13 =	simm.s32 $0x13880  }
0xaf: {  	[tilespmem:s13], [sflag:$0x2] =	stream.indirect.gather [hbm4b:s3+s11], $0x20, s9, s11, $0xb8;
	[tilespmem:$0x19C80] =	vst v63  }
0xb0: {  	s7 =	simm.s32 $0xA00;
	s8 =	simm.s32 $0x14C80  }
0xb1: {  	[tilespmem:s8], [sflag:$0x2] =	stream.indirect.gather [hbm4b:s3+s11], $0x20, s7, s11, $0xb8;
	[tilespmem:$0x19C80] =	vst v63  }
0xb2: {  	s9 =	simm.s32 $0xAA0;
	s13 =	simm.s32 $0x16080  }
0xb3: {  	[tilespmem:s13], [sflag:$0x2] =	stream.indirect.gather [hbm4b:s3+s11], $0x20, s9, s11, $0xb8;
	[tilespmem:$0x19C80] =	vst v63  }
0xb4: {  	s7 =	simm.s32 $0xB40;
	s8 =	simm.s32 $0x17480  }
0xb5: {  	[tilespmem:s8], [sflag:$0x2] =	stream.indirect.gather [hbm4b:s3+s11], $0x20, s7, s11, $0xb8;
	[tilespmem:$0x19C80] =	vst v63  }
0xb6: {  	s9 =	simm.s32 $0xBE0;
	s13 =	simm.s32 $0x18880  }
0xb7: {  	[tilespmem:s13], [sflag:$0x2] =	stream.indirect.gather [hbm4b:s3+s11], $0x20, s9, s11, $0xb8;
	[tilespmem:$0x19C80] =	vst v63  }
0xb8: {  	_ =	swait.ge [sflag:s24], $0x1400  }
0xb9: {  	[sflag:s24] =	ssyncset.done $0x0  }
0xba: {  	[sflag:s24] =	ssyncadd.s32 $0xFFFFEC00  }
0xbb: {  	_ =	swait.ge [sflag:s24], $0x1400  }
0xbc: {  	[sflag:s24] =	ssyncset.done $0x0  }
0xbd: {  	[sflag:s24] =	ssyncadd.s32 $0xFFFFEC00  }
0xbe: {  	_ =	swait.ge [sflag:s24], $0x1400  }
0xbf: {  	[sflag:s24] =	ssyncset.done $0x0  }
0xc0: {  	[sflag:s24] =	ssyncadd.s32 $0xFFFFEC00  }
0xc1: {  	_ =	swait.ge [sflag:s24], $0x1400  }
0xc2: {  	[sflag:s24] =	ssyncset.done $0x0  }
0xc3: {  	[sflag:s24] =	ssyncadd.s32 $0xFFFFEC00  }
0xc4: {  	_ =	swait.ge [sflag:s24], $0x1400  }
0xc5: {  	[sflag:s24] =	ssyncset.done $0x0  }
0xc6: {  	[sflag:s24] =	ssyncadd.s32 $0xFFFFEC00  }
0xc7: {  	_ =	swait.ge [sflag:s24], $0x1400  }
0xc8: {  	[sflag:s24] =	ssyncset.done $0x0  }
0xc9: {  	[sflag:s24] =	ssyncadd.s32 $0xFFFFEC00  }
0xca: {  	_ =	swait.ge [sflag:s24], $0x1400  }
0xcb: {  	[sflag:s24] =	ssyncset.done $0x0  }
0xcc: {  	[sflag:s24] =	ssyncadd.s32 $0xFFFFEC00  }
0xcd: {  	_ =	swait.ge [sflag:s24], $0x1400  }
0xce: {  	[sflag:s24] =	ssyncset.done $0x0  }
0xcf: {  	[sflag:s24] =	ssyncadd.s32 $0xFFFFEC00  }
0xd0: {  	_ =	swait.ge [sflag:s24], $0x1400  }
0xd1: {  	[sflag:s24] =	ssyncset.done $0x0  }
0xd2: {  	[sflag:s24] =	ssyncadd.s32 $0xFFFFEC00  }
0xd3: {  	_ =	swait.ge [sflag:s24], $0x1400  }
0xd4: {  	[sflag:s24] =	ssyncset.done $0x0  }
0xd5: {  	s1 =	sadd.s32 $0x0, s1;
	[sflag:s24] =	ssyncadd.s32 $0xFFFFEC00  }
0xd6: {  	[hbm4b:s1+s25] =	stream.strided.scatter [tilespmem:s12], [sflag:$0x3], $0xC800, s26, s25, $0x38;
	[tilespmem:$0x19C80] =	vst v63  }
0xd7: {  	_ =	swait.ge [sflag:s28], $0x1400  }
0xd8: {  	[sflag:s28] =	ssyncset.done $0x0  }
0xd9: {  	[sflag:s28] =	ssyncadd.s32 $0xFFFFEC00  }
0xda: {  	_ =	swait.ge [sflag:s28], $0x1400  }
0xdb: {  	[sflag:s28] =	ssyncset.done $0x0  }
0xdc: {  	[sflag:s28] =	ssyncadd.s32 $0xFFFFEC00  }
0xdd: {  	_ =	swait.ge [sflag:s28], $0x1400  }
0xde: {  	[sflag:s28] =	ssyncset.done $0x0  }
0xdf: {  	[sflag:s28] =	ssyncadd.s32 $0xFFFFEC00  }
0xe0: {  	_ =	swait.ge [sflag:s28], $0x1400  }
0xe1: {  	[sflag:s28] =	ssyncset.done $0x0  }
0xe2: {  	[sflag:s28] =	ssyncadd.s32 $0xFFFFEC00  }
0xe3: {  	_ =	swait.ge [sflag:s28], $0x1400  }
0xe4: {  	[sflag:s28] =	ssyncset.done $0x0  }
0xe5: {  	[sflag:s28] =	ssyncadd.s32 $0xFFFFEC00  }
0xe6: {  	_ =	swait.ge [sflag:s28], $0x1400  }
0xe7: {  	[sflag:s28] =	ssyncset.done $0x0  }
0xe8: {  	[sflag:s28] =	ssyncadd.s32 $0xFFFFEC00  }
0xe9: {  	_ =	swait.ge [sflag:s28], $0x1400  }
0xea: {  	[sflag:s28] =	ssyncset.done $0x0  }
0xeb: {  	[sflag:s28] =	ssyncadd.s32 $0xFFFFEC00  }
0xec: {  	_ =	swait.ge [sflag:s28], $0x1400  }
0xed: {  	[sflag:s28] =	ssyncset.done $0x0  }
0xee: {  	[sflag:s28] =	ssyncadd.s32 $0xFFFFEC00  }
0xef: {  	_ =	swait.ge [sflag:s28], $0x1400  }
0xf0: {  	s14 =	simm.s32 $0x140;
	s16 =	simm.s32 $0x1E0;
	[sflag:s28] =	ssyncset.done $0x0  }
0xf1: {  	s18 =	simm.s32 $0x280;
	s20 =	simm.s32 $0x320;
	[sflag:s28] =	ssyncadd.s32 $0xFFFFEC00  }
0xf2: {  	s4 =	sadd.s32 $0x0, s4;
	s22 =	simm.s32 $0x3C0;
	_ =	swait.ge [sflag:s28], $0x1400  }
0xf3: {  	s5 =	sadd.s32 $0x190, s6;
	s8 =	simm.s32 $0x19000;
	[sflag:s28] =	ssyncset.done $0x0  }
0xf4: {  	s1 =	simm.s32 $0xC800;
	s7 =	rddreg [dreg:$0x2];
	[sflag:s28] =	ssyncadd.s32 $0xFFFFEC00  }
.LBB2_2:
0xf5: {  	[hbm4b:s4+s25] =	stream.strided.scatter [tilespmem:s0], [sflag:$0x4], $0xC800, s26, s25, $0x38;
	[tilespmem:$0x19C80] =	vst v63  }
0xf6: {  	_ =	swait.ge [sflag:s29], $0xC800  }
0xf7: {  	[sflag:s29] =	ssyncset.done $0x0  }
0xf8: {  	[sflag:s29] =	ssyncadd.s32 $0xFFFF3800  }
0xf9: {  	[tilespmem:s2], [sflag:$0x5] =	stream.linear.gather [hbm4b:s5+s2], $0x640, $0x38;
	[tilespmem:$0x19C80] =	vst v63  }
0xfa: {  	_ =	swait.ge [sflag:s10], $0x640  }
0xfb: {  	[sflag:s10] =	ssyncset.done $0x0  }
0xfc: {  	[sflag:s10] =	ssyncadd.s32 $0xFFFFF9C0  }
0xfd: {  	[tilespmem:s12], [sflag:$0x1] =	stream.indirect.gather [hbm4b:s3+s11], $0x20, s2, s11, $0xb8;
	[tilespmem:$0x19C80] =	vst v63  }
0xfe: {  	s6 =	simm.s32 $0x2080  }
0xff: {  	[tilespmem:s6], [sflag:$0x1] =	stream.indirect.gather [hbm4b:s3+s11], $0x20, s11, s11, $0xb8;
	[tilespmem:$0x19C80] =	vst v63  }
0x100: {  	_ = 	snop  }
0x101: {  	[tilespmem:s15], [sflag:$0x1] =	stream.indirect.gather [hbm4b:s3+s11], $0x20, s14, s11, $0xb8;
	[tilespmem:$0x19C80] =	vst v63  }
0x102: {  	_ = 	snop  }
0x103: {  	[tilespmem:s17], [sflag:$0x1] =	stream.indirect.gather [hbm4b:s3+s11], $0x20, s16, s11, $0xb8;
	[tilespmem:$0x19C80] =	vst v63  }
0x104: {  	_ = 	snop  }
0x105: {  	[tilespmem:s19], [sflag:$0x1] =	stream.indirect.gather [hbm4b:s3+s11], $0x20, s18, s11, $0xb8;
	[tilespmem:$0x19C80] =	vst v63  }
0x106: {  	_ = 	snop  }
0x107: {  	[tilespmem:s21], [sflag:$0x1] =	stream.indirect.gather [hbm4b:s3+s11], $0x20, s20, s11, $0xb8;
	[tilespmem:$0x19C80] =	vst v63  }
0x108: {  	_ = 	snop  }
0x109: {  	[tilespmem:s23], [sflag:$0x1] =	stream.indirect.gather [hbm4b:s3+s11], $0x20, s22, s11, $0xb8;
	[tilespmem:$0x19C80] =	vst v63  }
0x10a: {  	s13 =	simm.s32 $0x460;
	s9 =	simm.s32 $0x9880  }
0x10b: {  	[tilespmem:s9], [sflag:$0x1] =	stream.indirect.gather [hbm4b:s3+s11], $0x20, s13, s11, $0xb8;
	[tilespmem:$0x19C80] =	vst v63  }
0x10c: {  	s9 =	simm.s32 $0x500;
	s13 =	simm.s32 $0xAC80  }
0x10d: {  	[tilespmem:s13], [sflag:$0x1] =	stream.indirect.gather [hbm4b:s3+s11], $0x20, s9, s11, $0xb8;
	[tilespmem:$0x19C80] =	vst v63  }
0x10e: {  	s9 =	simm.s32 $0x5A0;
	s13 =	simm.s32 $0xC080  }
0x10f: {  	[tilespmem:s13], [sflag:$0x1] =	stream.indirect.gather [hbm4b:s3+s11], $0x20, s9, s11, $0xb8;
	[tilespmem:$0x19C80] =	vst v63  }
0x110: {  	s6 =	rddreg [dreg:$0x3];
	_ =	swait.ge [sflag:s30], $0xC800  }
0x111: {  	[sflag:s30] =	ssyncset.done $0x0  }
0x112: {  	s13 =	sadd.s32 $0xC8, s5;
	[sflag:s30] =	ssyncadd.s32 $0xFFFF3800  }
0x113: {  	[tilespmem:s31], [sflag:$0x5] =	stream.linear.gather [hbm4b:s13+s2], $0x640, $0x38;
	[tilespmem:$0x19C80] =	vst v63  }
0x114: {  	_ =	swait.ge [sflag:s10], $0x640  }
0x115: {  	[sflag:s10] =	ssyncset.done $0x0  }
0x116: {  	[sflag:s10] =	ssyncadd.s32 $0xFFFFF9C0  }
0x117: {  	[tilespmem:s0], [sflag:$0x2] =	stream.indirect.gather [hbm4b:s3+s11], $0x20, s31, s11, $0xb8;
	[tilespmem:$0x19C80] =	vst v63  }
0x118: {  	s9 =	simm.s32 $0x6E0;
	s13 =	simm.s32 $0xE880  }
0x119: {  	[tilespmem:s13], [sflag:$0x2] =	stream.indirect.gather [hbm4b:s3+s11], $0x20, s9, s11, $0xb8;
	[tilespmem:$0x19C80] =	vst v63  }
0x11a: {  	s9 =	simm.s32 $0x780;
	s13 =	simm.s32 $0xFC80  }
0x11b: {  	[tilespmem:s13], [sflag:$0x2] =	stream.indirect.gather [hbm4b:s3+s11], $0x20, s9, s11, $0xb8;
	[tilespmem:$0x19C80] =	vst v63  }
0x11c: {  	s9 =	simm.s32 $0x820;
	s13 =	simm.s32 $0x11080  }
0x11d: {  	[tilespmem:s13], [sflag:$0x2] =	stream.indirect.gather [hbm4b:s3+s11], $0x20, s9, s11, $0xb8;
	[tilespmem:$0x19C80] =	vst v63  }
0x11e: {  	s9 =	simm.s32 $0x8C0;
	s13 =	simm.s32 $0x12480  }
0x11f: {  	[tilespmem:s13], [sflag:$0x2] =	stream.indirect.gather [hbm4b:s3+s11], $0x20, s9, s11, $0xb8;
	[tilespmem:$0x19C80] =	vst v63  }
0x120: {  	s9 =	simm.s32 $0x960;
	s13 =	simm.s32 $0x13880  }
0x121: {  	[tilespmem:s13], [sflag:$0x2] =	stream.indirect.gather [hbm4b:s3+s11], $0x20, s9, s11, $0xb8;
	[tilespmem:$0x19C80] =	vst v63  }
0x122: {  	s9 =	simm.s32 $0xA00;
	s13 =	simm.s32 $0x14C80  }
0x123: {  	[tilespmem:s13], [sflag:$0x2] =	stream.indirect.gather [hbm4b:s3+s11], $0x20, s9, s11, $0xb8;
	[tilespmem:$0x19C80] =	vst v63  }
0x124: {  	s9 =	simm.s32 $0xAA0;
	s13 =	simm.s32 $0x16080  }
0x125: {  	[tilespmem:s13], [sflag:$0x2] =	stream.indirect.gather [hbm4b:s3+s11], $0x20, s9, s11, $0xb8;
	[tilespmem:$0x19C80] =	vst v63  }
0x126: {  	s9 =	simm.s32 $0xB40;
	s13 =	simm.s32 $0x17480  }
0x127: {  	[tilespmem:s13], [sflag:$0x2] =	stream.indirect.gather [hbm4b:s3+s11], $0x20, s9, s11, $0xb8;
	[tilespmem:$0x19C80] =	vst v63  }
0x128: {  	s9 =	simm.s32 $0xBE0;
	s13 =	simm.s32 $0x18880  }
0x129: {  	[tilespmem:s13], [sflag:$0x2] =	stream.indirect.gather [hbm4b:s3+s11], $0x20, s9, s11, $0xb8;
	[tilespmem:$0x19C80] =	vst v63  }
0x12a: {  	_ =	swait.ge [sflag:s24], $0x1400  }
0x12b: {  	[sflag:s24] =	ssyncset.done $0x0  }
0x12c: {  	[sflag:s24] =	ssyncadd.s32 $0xFFFFEC00  }
0x12d: {  	_ =	swait.ge [sflag:s24], $0x1400  }
0x12e: {  	[sflag:s24] =	ssyncset.done $0x0  }
0x12f: {  	[sflag:s24] =	ssyncadd.s32 $0xFFFFEC00  }
0x130: {  	_ =	swait.ge [sflag:s24], $0x1400  }
0x131: {  	[sflag:s24] =	ssyncset.done $0x0  }
0x132: {  	[sflag:s24] =	ssyncadd.s32 $0xFFFFEC00  }
0x133: {  	_ =	swait.ge [sflag:s24], $0x1400  }
0x134: {  	[sflag:s24] =	ssyncset.done $0x0  }
0x135: {  	[sflag:s24] =	ssyncadd.s32 $0xFFFFEC00  }
0x136: {  	_ =	swait.ge [sflag:s24], $0x1400  }
0x137: {  	[sflag:s24] =	ssyncset.done $0x0  }
0x138: {  	[sflag:s24] =	ssyncadd.s32 $0xFFFFEC00  }
0x139: {  	_ =	swait.ge [sflag:s24], $0x1400  }
0x13a: {  	[sflag:s24] =	ssyncset.done $0x0  }
0x13b: {  	[sflag:s24] =	ssyncadd.s32 $0xFFFFEC00  }
0x13c: {  	_ =	swait.ge [sflag:s24], $0x1400  }
0x13d: {  	[sflag:s24] =	ssyncset.done $0x0  }
0x13e: {  	[sflag:s24] =	ssyncadd.s32 $0xFFFFEC00  }
0x13f: {  	_ =	swait.ge [sflag:s24], $0x1400  }
0x140: {  	[sflag:s24] =	ssyncset.done $0x0  }
0x141: {  	[sflag:s24] =	ssyncadd.s32 $0xFFFFEC00  }
0x142: {  	_ =	swait.ge [sflag:s24], $0x1400  }
0x143: {  	[sflag:s24] =	ssyncset.done $0x0  }
0x144: {  	[sflag:s24] =	ssyncadd.s32 $0xFFFFEC00  }
0x145: {  	_ =	swait.ge [sflag:s24], $0x1400  }
0x146: {  	s4 =	smov.u32 s1;
	[sflag:s24] =	ssyncset.done $0x0  }
0x147: {  	s7 =	sadd.s32 s4, s7;
	[sflag:s24] =	ssyncadd.s32 $0xFFFFEC00  }
0x148: {  	[hbm4b:s7+s25] =	stream.strided.scatter [tilespmem:s12], [sflag:$0x3], $0xC800, s26, s25, $0x38;
	[tilespmem:$0x19C80] =	vst v63  }
0x149: {  	_ =	swait.ge [sflag:s28], $0x1400  }
0x14a: {  	[sflag:s28] =	ssyncset.done $0x0  }
0x14b: {  	[sflag:s28] =	ssyncadd.s32 $0xFFFFEC00  }
0x14c: {  	_ =	swait.ge [sflag:s28], $0x1400  }
0x14d: {  	[sflag:s28] =	ssyncset.done $0x0  }
0x14e: {  	[sflag:s28] =	ssyncadd.s32 $0xFFFFEC00  }
0x14f: {  	_ =	swait.ge [sflag:s28], $0x1400  }
0x150: {  	[sflag:s28] =	ssyncset.done $0x0  }
0x151: {  	[sflag:s28] =	ssyncadd.s32 $0xFFFFEC00  }
0x152: {  	_ =	swait.ge [sflag:s28], $0x1400  }
0x153: {  	[sflag:s28] =	ssyncset.done $0x0  }
0x154: {  	[sflag:s28] =	ssyncadd.s32 $0xFFFFEC00  }
0x155: {  	_ =	swait.ge [sflag:s28], $0x1400  }
0x156: {  	[sflag:s28] =	ssyncset.done $0x0  }
0x157: {  	[sflag:s28] =	ssyncadd.s32 $0xFFFFEC00  }
0x158: {  	_ =	swait.ge [sflag:s28], $0x1400  }
0x159: {  	[sflag:s28] =	ssyncset.done $0x0  }
0x15a: {  	[sflag:s28] =	ssyncadd.s32 $0xFFFFEC00  }
0x15b: {  	_ =	swait.ge [sflag:s28], $0x1400  }
0x15c: {  	[sflag:s28] =	ssyncset.done $0x0  }
0x15d: {  	[sflag:s28] =	ssyncadd.s32 $0xFFFFEC00  }
0x15e: {  	_ =	swait.ge [sflag:s28], $0x1400  }
0x15f: {  	[sflag:s28] =	ssyncset.done $0x0  }
0x160: {  	[sflag:s28] =	ssyncadd.s32 $0xFFFFEC00  }
0x161: {  	p0 =	sne.s32 s8, $0x177000;
	_ =	swait.ge [sflag:s28], $0x1400  }
.Ltmp0:
0x162: {  	[sflag:s28] =	ssyncset.done $0x0;
	(pc) =	sbr.rel @p0 .LBB2_2-.Ltmp0, $4  }
0x163: {  	[sflag:s28] =	ssyncadd.s32 $0xFFFFEC00  }
0x164: {  	s1 =	smov.u32 s8;
	_ =	swait.ge [sflag:s28], $0x1400  }
0x165: {  	s8 =	sadd.s32 $0xC800, s8;
	s4 =	sadd.s32 s4, s6;
	[sflag:s28] =	ssyncset.done $0x0  }
0x166: {  	s5 =	sadd.s32 $0x190, s5;
	s7 =	rddreg [dreg:$0x2];
	[sflag:s28] =	ssyncadd.s32 $0xFFFFEC00  }
0x167: {  	[hbm4b:s4+s25] =	stream.strided.scatter [tilespmem:s0], [sflag:$0x4], $0xC800, s26, s25, $0x38;
	[tilespmem:$0x19C80] =	vst v63  }
0x168: {  	_ =	swait.ge [sflag:s29], $0xC800  }
0x169: {  	[sflag:s29] =	ssyncset.done $0x0  }
0x16a: {  	[sflag:s29] =	ssyncadd.s32 $0xFFFF3800  }
0x16b: {  	[tilespmem:s2], [sflag:$0x5] =	stream.linear.gather [hbm4b:s5+s2], $0x640, $0x38;
	[tilespmem:$0x19C80] =	vst v63  }
0x16c: {  	_ =	swait.ge [sflag:s10], $0x640  }
0x16d: {  	[sflag:s10] =	ssyncset.done $0x0  }
0x16e: {  	[sflag:s10] =	ssyncadd.s32 $0xFFFFF9C0  }
0x16f: {  	[tilespmem:s12], [sflag:$0x1] =	stream.indirect.gather [hbm4b:s3+s11], $0x20, s2, s11, $0xb8;
	[tilespmem:$0x19C80] =	vst v63  }
0x170: {  	s13 =	simm.s32 $0x2080  }
0x171: {  	[tilespmem:s13], [sflag:$0x1] =	stream.indirect.gather [hbm4b:s3+s11], $0x20, s11, s11, $0xb8;
	[tilespmem:$0x19C80] =	vst v63  }
0x172: {  	_ = 	snop  }
0x173: {  	[tilespmem:s15], [sflag:$0x1] =	stream.indirect.gather [hbm4b:s3+s11], $0x20, s14, s11, $0xb8;
	[tilespmem:$0x19C80] =	vst v63  }
0x174: {  	_ = 	snop  }
0x175: {  	[tilespmem:s17], [sflag:$0x1] =	stream.indirect.gather [hbm4b:s3+s11], $0x20, s16, s11, $0xb8;
	[tilespmem:$0x19C80] =	vst v63  }
0x176: {  	_ = 	snop  }
0x177: {  	[tilespmem:s19], [sflag:$0x1] =	stream.indirect.gather [hbm4b:s3+s11], $0x20, s18, s11, $0xb8;
	[tilespmem:$0x19C80] =	vst v63  }
0x178: {  	_ = 	snop  }
0x179: {  	[tilespmem:s21], [sflag:$0x1] =	stream.indirect.gather [hbm4b:s3+s11], $0x20, s20, s11, $0xb8;
	[tilespmem:$0x19C80] =	vst v63  }
0x17a: {  	_ = 	snop  }
0x17b: {  	[tilespmem:s23], [sflag:$0x1] =	stream.indirect.gather [hbm4b:s3+s11], $0x20, s22, s11, $0xb8;
	[tilespmem:$0x19C80] =	vst v63  }
0x17c: {  	s6 =	simm.s32 $0x9880;
	s16 =	simm.s32 $0x460  }
0x17d: {  	[tilespmem:s6], [sflag:$0x1] =	stream.indirect.gather [hbm4b:s3+s11], $0x20, s16, s11, $0xb8;
	[tilespmem:$0x19C80] =	vst v63  }
0x17e: {  	s18 =	simm.s32 $0x500;
	s20 =	simm.s32 $0xAC80  }
0x17f: {  	[tilespmem:s20], [sflag:$0x1] =	stream.indirect.gather [hbm4b:s3+s11], $0x20, s18, s11, $0xb8;
	[tilespmem:$0x19C80] =	vst v63  }
0x180: {  	s8 =	simm.s32 $0xC080;
	s22 =	simm.s32 $0x5A0  }
0x181: {  	[tilespmem:s8], [sflag:$0x1] =	stream.indirect.gather [hbm4b:s3+s11], $0x20, s22, s11, $0xb8;
	[tilespmem:$0x19C80] =	vst v63  }
0x182: {  	s4 =	rddreg [dreg:$0x3];
	_ =	swait.ge [sflag:s30], $0xC800  }
0x183: {  	[sflag:s30] =	ssyncset.done $0x0  }
0x184: {  	s9 =	sadd.s32 $0xC8, s5;
	[sflag:s30] =	ssyncadd.s32 $0xFFFF3800  }
0x185: {  	[tilespmem:s31], [sflag:$0x5] =	stream.linear.gather [hbm4b:s9+s2], $0x640, $0x38;
	[tilespmem:$0x19C80] =	vst v63  }
0x186: {  	_ =	swait.ge [sflag:s10], $0x640  }
0x187: {  	[sflag:s10] =	ssyncset.done $0x0  }
0x188: {  	[sflag:s10] =	ssyncadd.s32 $0xFFFFF9C0  }
0x189: {  	[tilespmem:s0], [sflag:$0x2] =	stream.indirect.gather [hbm4b:s3+s11], $0x20, s31, s11, $0xb8;
	[tilespmem:$0x19C80] =	vst v63  }
0x18a: {  	s13 =	simm.s32 $0x6E0;
	s14 =	simm.s32 $0xE880  }
0x18b: {  	[tilespmem:s14], [sflag:$0x2] =	stream.indirect.gather [hbm4b:s3+s11], $0x20, s13, s11, $0xb8;
	[tilespmem:$0x19C80] =	vst v63  }
0x18c: {  	s16 =	simm.s32 $0x780;
	s18 =	simm.s32 $0xFC80  }
0x18d: {  	[tilespmem:s18], [sflag:$0x2] =	stream.indirect.gather [hbm4b:s3+s11], $0x20, s16, s11, $0xb8;
	[tilespmem:$0x19C80] =	vst v63  }
0x18e: {  	s20 =	simm.s32 $0x820;
	s22 =	simm.s32 $0x11080  }
0x18f: {  	[tilespmem:s22], [sflag:$0x2] =	stream.indirect.gather [hbm4b:s3+s11], $0x20, s20, s11, $0xb8;
	[tilespmem:$0x19C80] =	vst v63  }
0x190: {  	s8 =	simm.s32 $0x8C0;
	s9 =	simm.s32 $0x12480  }
0x191: {  	[tilespmem:s9], [sflag:$0x2] =	stream.indirect.gather [hbm4b:s3+s11], $0x20, s8, s11, $0xb8;
	[tilespmem:$0x19C80] =	vst v63  }
0x192: {  	s13 =	simm.s32 $0x960;
	s14 =	simm.s32 $0x13880  }
0x193: {  	[tilespmem:s14], [sflag:$0x2] =	stream.indirect.gather [hbm4b:s3+s11], $0x20, s13, s11, $0xb8;
	[tilespmem:$0x19C80] =	vst v63  }
0x194: {  	s16 =	simm.s32 $0xA00;
	s18 =	simm.s32 $0x14C80  }
0x195: {  	[tilespmem:s18], [sflag:$0x2] =	stream.indirect.gather [hbm4b:s3+s11], $0x20, s16, s11, $0xb8;
	[tilespmem:$0x19C80] =	vst v63  }
0x196: {  	s20 =	simm.s32 $0xAA0;
	s22 =	simm.s32 $0x16080  }
0x197: {  	[tilespmem:s22], [sflag:$0x2] =	stream.indirect.gather [hbm4b:s3+s11], $0x20, s20, s11, $0xb8;
	[tilespmem:$0x19C80] =	vst v63  }
0x198: {  	s8 =	simm.s32 $0xB40;
	s9 =	simm.s32 $0x17480  }
0x199: {  	[tilespmem:s9], [sflag:$0x2] =	stream.indirect.gather [hbm4b:s3+s11], $0x20, s8, s11, $0xb8;
	[tilespmem:$0x19C80] =	vst v63  }
0x19a: {  	s13 =	simm.s32 $0xBE0;
	s14 =	simm.s32 $0x18880  }
0x19b: {  	[tilespmem:s14], [sflag:$0x2] =	stream.indirect.gather [hbm4b:s3+s11], $0x20, s13, s11, $0xb8;
	[tilespmem:$0x19C80] =	vst v63  }
0x19c: {  	_ =	swait.ge [sflag:s24], $0x1400  }
0x19d: {  	[sflag:s24] =	ssyncset.done $0x0  }
0x19e: {  	[sflag:s24] =	ssyncadd.s32 $0xFFFFEC00  }
0x19f: {  	_ =	swait.ge [sflag:s24], $0x1400  }
0x1a0: {  	[sflag:s24] =	ssyncset.done $0x0  }
0x1a1: {  	[sflag:s24] =	ssyncadd.s32 $0xFFFFEC00  }
0x1a2: {  	_ =	swait.ge [sflag:s24], $0x1400  }
0x1a3: {  	[sflag:s24] =	ssyncset.done $0x0  }
0x1a4: {  	[sflag:s24] =	ssyncadd.s32 $0xFFFFEC00  }
0x1a5: {  	_ =	swait.ge [sflag:s24], $0x1400  }
0x1a6: {  	[sflag:s24] =	ssyncset.done $0x0  }
0x1a7: {  	[sflag:s24] =	ssyncadd.s32 $0xFFFFEC00  }
0x1a8: {  	_ =	swait.ge [sflag:s24], $0x1400  }
0x1a9: {  	[sflag:s24] =	ssyncset.done $0x0  }
0x1aa: {  	[sflag:s24] =	ssyncadd.s32 $0xFFFFEC00  }
0x1ab: {  	_ =	swait.ge [sflag:s24], $0x1400  }
0x1ac: {  	[sflag:s24] =	ssyncset.done $0x0  }
0x1ad: {  	[sflag:s24] =	ssyncadd.s32 $0xFFFFEC00  }
0x1ae: {  	_ =	swait.ge [sflag:s24], $0x1400  }
0x1af: {  	[sflag:s24] =	ssyncset.done $0x0  }
0x1b0: {  	[sflag:s24] =	ssyncadd.s32 $0xFFFFEC00  }
0x1b1: {  	_ =	swait.ge [sflag:s24], $0x1400  }
0x1b2: {  	[sflag:s24] =	ssyncset.done $0x0  }
0x1b3: {  	[sflag:s24] =	ssyncadd.s32 $0xFFFFEC00  }
0x1b4: {  	_ =	swait.ge [sflag:s24], $0x1400  }
0x1b5: {  	[sflag:s24] =	ssyncset.done $0x0  }
0x1b6: {  	[sflag:s24] =	ssyncadd.s32 $0xFFFFEC00  }
0x1b7: {  	_ =	swait.ge [sflag:s24], $0x1400  }
0x1b8: {  	[sflag:s24] =	ssyncset.done $0x0  }
0x1b9: {  	s16 =	sadd.s32 s1, s7;
	[sflag:s24] =	ssyncadd.s32 $0xFFFFEC00  }
0x1ba: {  	[hbm4b:s16+s25] =	stream.strided.scatter [tilespmem:s12], [sflag:$0x3], $0xC800, s26, s25, $0x38;
	[tilespmem:$0x19C80] =	vst v63  }
0x1bb: {  	_ =	swait.ge [sflag:s28], $0x1400  }
0x1bc: {  	[sflag:s28] =	ssyncset.done $0x0  }
0x1bd: {  	[sflag:s28] =	ssyncadd.s32 $0xFFFFEC00  }
0x1be: {  	_ =	swait.ge [sflag:s28], $0x1400  }
0x1bf: {  	[sflag:s28] =	ssyncset.done $0x0  }
0x1c0: {  	[sflag:s28] =	ssyncadd.s32 $0xFFFFEC00  }
0x1c1: {  	_ =	swait.ge [sflag:s28], $0x1400  }
0x1c2: {  	[sflag:s28] =	ssyncset.done $0x0  }
0x1c3: {  	[sflag:s28] =	ssyncadd.s32 $0xFFFFEC00  }
0x1c4: {  	_ =	swait.ge [sflag:s28], $0x1400  }
0x1c5: {  	[sflag:s28] =	ssyncset.done $0x0  }
0x1c6: {  	[sflag:s28] =	ssyncadd.s32 $0xFFFFEC00  }
0x1c7: {  	_ =	swait.ge [sflag:s28], $0x1400  }
0x1c8: {  	[sflag:s28] =	ssyncset.done $0x0  }
0x1c9: {  	[sflag:s28] =	ssyncadd.s32 $0xFFFFEC00  }
0x1ca: {  	_ =	swait.ge [sflag:s28], $0x1400  }
0x1cb: {  	[sflag:s28] =	ssyncset.done $0x0  }
0x1cc: {  	[sflag:s28] =	ssyncadd.s32 $0xFFFFEC00  }
0x1cd: {  	_ =	swait.ge [sflag:s28], $0x1400  }
0x1ce: {  	[sflag:s28] =	ssyncset.done $0x0  }
0x1cf: {  	[sflag:s28] =	ssyncadd.s32 $0xFFFFEC00  }
0x1d0: {  	_ =	swait.ge [sflag:s28], $0x1400  }
0x1d1: {  	[sflag:s28] =	ssyncset.done $0x0  }
0x1d2: {  	[sflag:s28] =	ssyncadd.s32 $0xFFFFEC00  }
0x1d3: {  	_ =	swait.ge [sflag:s28], $0x1400  }
0x1d4: {  	[sflag:s28] =	ssyncset.done $0x0  }
0x1d5: {  	[sflag:s28] =	ssyncadd.s32 $0xFFFFEC00  }
0x1d6: {  	_ =	swait.ge [sflag:s28], $0x1400  }
0x1d7: {  	[sflag:s28] =	ssyncset.done $0x0  }
0x1d8: {  	s18 =	sadd.s32 s1, s4;
	[sflag:s28] =	ssyncadd.s32 $0xFFFFEC00  }
0x1d9: {  	[hbm4b:s18+s25] =	stream.strided.scatter [tilespmem:s0], [sflag:$0x4], $0xC800, s26, s25, $0x38;
	[tilespmem:$0x19C80] =	vst v63  }
0x1da: {  	_ =	swait.ge [sflag:s29], $0xC800  }
0x1db: {  	[sflag:s29] =	ssyncset.done $0x0  }
0x1dc: {  	[sflag:s29] =	ssyncadd.s32 $0xFFFF3800  }
0x1dd: {  	_ =	swait.ge [sflag:s30], $0xC800  }
0x1de: {  	s20 =	rddreg [dreg:$0xa]  }
0x1df: {  	s22 =	rddreg [dreg:$0x8];
	s4 =	sadd.s32 $0x1, s20  }
0x1e0: {  	p0 =	sne.s32 s4, s22  }
.Ltmp1:
0x1e1: {  	_ = 	snop;
	(pc) =	sbr.rel @p0 .LBB2_1-.Ltmp1, $3  }
0x1e2: {  	_ =	sdelay $0x1  }
0x1e3: {  	[sflag:s30] =	ssyncset.done $0x0  }
0x1e4: {  	[sflag:s30] =	ssyncadd.s32 $0xFFFF3800  }
0x1e5: {  	_ =	sfence.sel $0x180000  }
0x1e6: {  	[bflag:$0x0] =	sbarrier.arrive $0xFFFF  }
0x1e7: {  	_ =	strace $0x90000047  }
0x1e8: {  	s0 =	stileid.u32;
	[bflag:$0x2] =	sbarrier.arrive $0xFFFF  }
0x1e9: {  	p0 =	sne.s32 s0, $0x0;
	s0 =	rddreg [dreg:$0x1]  }
0x1ea: {  	s0 =	sadd.s32 @!p0 $0x100000, s0  }
0x1eb: {  	[sflag:s0] =	ssyncadd.tile.s32 @!p0 $0x1;
	_ =	shalt  }
.Lfunc_end2:
_tile_overlayer_lowered:
.L_overlay_start_2:
0x1ec: {  	(tag) =	ssettag $0x2  }
0x1ed: {  	s0 =	rddreg [dreg:$0x0];
	s2 =	stileid.u32  }
0x1ee: {  	s1 =	rddreg [dreg:$0x1];
	p0 =	sne.s32 s2, $0x0  }
0x1ef: {  	s3 =	rddreg [dreg:$0x2];
	[bflag:$0x3] =	sbarrier.arrive $0xFFFF;
	s2 =	simm.s32 @!p0 $0x1C05  }
0x1f0: {  	[timem:s3], [sflag:s2] =	dma.local @!p0 [hbm:s0], s1  }
0x1f1: {  	s0 =	simm.s32 @!p0 $0x5  }
0x1f2: {  	_ =	swait.ge @!p0 [sflag:s0], s1  }
0x1f3: {  	s1 =	ssub.s32 @!p0 $0x0, s1;
	[sflag:s0] =	ssyncset.done @!p0 $0x0  }
0x1f4: {  	[sflag:s0] =	ssyncadd.s32 @!p0 s1  }
0x1f5: {  	[bflag:$0x3] =	sbarrier.arrive $0xFFFF  }
0x1f6: {  	_ =	shalt  }

// kernel: sparse-core-data-format-call.cloned.1.call-start
scs
called_computation_lowered:
.L_overlay_start_0:
0x0: {  	s2 =	sld [smem:$0x3FD9]  }
0x1: {  	s3 =	sld [smem:$0x3FFE];
	_ =	sdelay $0x1  }
0x2: {  	s1 =	srdreg.scid  }
0x3: {  	s0 =	sand.u32 $0x1, s1  }
0x4: {  	s18 =	sshll.u32 s0, $0xA;
	s2 =	sadd.s32 s3, s2  }
0x5: {  	s2 =	sadd.s32 s2, s18  }
0x6: {  	[smem:$0x3FC6] =	sst s2  }
0x7: {  	_ = 	snop  }
0x8: {  	s2 =	sld [smem:$0x3FD0];
	(tm) =	ssettm $0x1  }
0x9: {  	s19 =	sld [smem:$0x3FFB];
	_ =	sdelay $0x3  }
0xa: {  	_ =	strace s19  }
0xb: {  	s3 =	sld [smem:$0x3FFC];
	_ =	sdelay $0x3  }
0xc: {  	_ =	strace s3  }
0xd: {  	s3 =	sld [smem:$0x3FFD];
	_ =	sdelay $0x3  }
0xe: {  	_ =	strace s3  }
0xf: {  	_ =	strace $0x8FFFFFFF  }
0x10: {  	s20 =	sld [smem:$0x3FDB];
	_ =	sdelay $0x1  }
0x11: {  	s4 =	simm.s32 $_scs_section_size  }
0x12: {  	s5 =	simm.s32 $_size__tile_overlayer_lowered;
	s6 =	simm.s32 $_tile_overlayer_lowered  }
0x13: {  	s23 =	simm.s32 $0x1BFF;
	s22 =	sshll.u32 s6, $0x1;
	s3 =	sadd.s32 s4, s20  }
0x14: {  	s7 =	simm.s32 $0x0;
	s21 =	sshll.u32 s5, $0x1;
	s5 =	sadd.s32 s22, s3  }
0x15: {  	[timem:s7], [sflag:s23] =	dma.local [hbm:s5], s21  }
0x16: {  	_ =	swait.ge [sflag:s23], s21  }
0x17: {  	s4 =	ssub.s32 $0x0, s21;
	[sflag:s23] =	ssyncset.done $0x0  }
0x18: {  	[sflag:s23] =	ssyncadd.s32 s4;
	_ =	sdelay $0x1  }
0x19: {  	s24 =	simm.s32 $0x1B8B  }
0x1a: {  	_ =	swait.ge [sflag:s24], $0x1  }
0x1b: {  	[sflag:s24] =	ssyncset.done $0x0  }
0x1c: {  	s26 =	simm.s32 $0x1B8E;
	s25 =	sld [smem:$0x3FFE];
	[sflag:s24] =	ssyncadd.s32 $0xFFFFFFFF  }
0x1d: {  	s27 =	simm.s32 $execute0_lowered;
	[smem:$0x3FD2] =	sst s26  }
0x1e: {  	s5 =	sshll.u32 s27, $0x1;
	_ =	strace $0x80000049;
	[dreg:$0x1] =	wrdreg $0xFFFFFFFF  }
0x1f: {  	s28 =	simm.s32 $_size_execute0_lowered;
	s3 =	sadd.s32 s3, s5;
	[dreg:$0x0] =	wrdreg $0x0  }
0x20: {  	s5 =	sshll.u32 s28, $0x1;
	[dreg:$0x2] =	wrdreg s3  }
0x21: {  	[dreg:$0x3] =	wrdreg s5  }
0x22: {  	[dreg:$0x4] =	wrdreg $0xC0  }
0x23: {  	_ =	task [dreg:s7], $0x5FFFF  }
0x24: {  	[dreg:$0x1] =	wrdreg $0xFFFFFFFF  }
0x25: {  	[dreg:$0x0] =	wrdreg $0x60  }
0x26: {  	[dreg:$0x2] =	wrdreg s25  }
0x27: {  	[dreg:$0x3] =	wrdreg s2  }
0x28: {  	[dreg:$0x4] =	wrdreg $0x9  }
0x29: {  	_ =	task.clear_ibuf [dreg:s7], $0x5FFFF;
	_ =	strace $0x90000049  }
0x2a: {  	s29 =	simm.s32 $0x9;
	_ =	strace $0x8000004B  }
0x2b: {  	_ =	swait.ge [sflag:s29], $0x1  }
0x2c: {  	[sflag:s29] =	ssyncadd.s32 $0xFFFFFFFF  }
0x2d: {  	_ =	strace $0x9000004B  }
0x2e: {  	_ =	sfence  }
0x2f: {  	s30 =	sld [smem:$0x0];
	_ =	sdelay $0x2  }
0x30: {  	s31 =	sshll.u32 s1, $0xD;
	s1 =	sshrl.u32 s1, $0x2  }
0x31: {  	s3 =	sand.u32 $0x4000, s31;
	s1 =	sadd.s32 s1, s30  }
0x32: {  	s0 =	sor.u32 s3, s0;
	s1 =	sshll.u32 s1, $0x11  }
0x33: {  	s0 =	sor.u32 s1, s0  }
0x34: {  	s0 =	sadd.s32 $0x8F2B, s0  }
0x35: {  	[sflag:s0] =	ssyncadd.remote.s32 $0x1  }
0x36: {  	_ =	sfence.sel $0xFFFF  }
0x37: {  	[dreg:$0x0] =	wrdreg $0xFFFFFFFF;
	(pc) =	sbr.abs _section_cstart, $3  }
0x38: {  	[dreg:$0x1] =	wrdreg $0xFFFFFFFF  }
0x39: {  	_ =	task.clear_ibuf [dreg:s7], $0x2FFFF;
	_ =	strace $0x9FFFFFFF  }
0x3a: {  	(tm) =	ssettm $0x7FFFFFFF  }
0x3b: {  	_ =	shalt  }
tec
execute0_lowered:
.L_overlay_start_1:
0x0: {  	(tag) =	ssettag $0x1  }
0x1: {  	s0 =	srdreg.scid  }
0x2: {  	s1 =	sshll.u32 s0, $0x4  }
0x3: {  	s0 =	stileid.u32;
	s1 =	sand.u32 $0x10, s1  }
0x4: {  	s1 =	sor.u32 s0, s1  }
0x5: {  	s6 =	rddreg [dreg:$0x0];
	s4 =	simm.s32 $0x1;
	s2 =	sshll.u32 s1, $0x7  }
0x6: {  	s7 =	simm.s32 $0x2;
	s12 =	simm.s32 $0x0;
	s1 =	ssub.s32 $0x4000, s2  }
0x7: {  	s8 =	simm.s32 $0x20000;
	s13 =	simm.s32 $0x0;
	s3 =	sand.u32 $0xF80, s1  }
0x8: {  	s9 =	simm.s32 $0x0;
	s5 =	sshrl.u32 s1, $0xC;
	p0 =	sne.s32 s3, $0x0  }
.Ltmp0:
0x9: {  	s1 =	rddreg [dreg:$0x2];
	s4 =	simm.s32 @!p0 $0x0;
	(pc) =	sbr.rel .LBB1_1-.Ltmp0, $4  }
0xa: {  	s11 =	simm.s32 $0x0;
	s3 =	rddreg [dreg:$0x1];
	s5 =	sadd.s32 s4, s5  }
0xb: {  	_ =	strace $0x8000004A;
	s4 =	simm.s32 $0x1;
	s5 =	smul.u32 $0xC8, s5  }
0xc: {  	s6 =	sadd.s32 $0xC7400, s6;
	s10 =	smov.u32 s2;
	[sflag:s4] =	ssyncpa.u1 $0x0  }
0xd: {  	p0 =	por $0x0, $0x0;
	[sflag:s7] =	ssyncpa.u1 $0x0;
	s7 =	sor.u32 $0x1, s5  }
.LBB1_4:
0xe: {  	s16 =	sshll.u32 s13, $0x3;
	s17 =	sand.u32 $0x78, s13  }
0xf: {  	s30 =	sand.u32 $0xF800, s13;
	s12 =	sshll.u32 s12, $0x10;
	s16 =	sand.u32 $0x3C00, s16  }
0x10: {  	s31 =	sand.u32 $0x7, s13;
	s16 =	sor.u32 s17, s16;
	s17 =	sadd.s32 s3, s30  }
0x11: {  	s13 =	sshll.u32 s31, $0x12;
	s16 =	sshrl.u32 s16, $0x3;
	s12 =	sadd.s32 s12, s17  }
0x12: {  	[tilespmem:s15+$0x0 ss:$0x81] =	vst.msk $0xffff, v0;
	s13 =	sor.u32 $0x400, s13;
	s12 =	sadd.s32 s16, s12  }
0x13: {  	[hbm4b:s12+s13] =	stream.strided.scatter [tilespmem:s14], [sflag:$0x2], $0x1000, s8, s13, $0x20;
	[tilespmem:$0x4040] =	vst v63  }
.LBB1_5:
0x14: {  	s14 =	sadd.s32 $0x1, s9  }
0x15: {  	s12 =	sadd.s32 $0x1000, s10;
	s16 =	smov.u32 s10;
	p2 =	sgt.s32 s14, $0xC7  }
0x16: {  	s16 =	smov.u32 @p2 s12  }
0x17: {  	s14 =	simm.s32 @p2 $0x0;
	p2 =	sgt.s32 s16, $0x3FFF  }
0x18: {  	s16 =	smov.u32 @p2 s2;
	p2 =	sne.s32 s11, s7  }
.Ltmp1:
0x19: {  	p1 =	slt.u32 s11, $0x2;
	(pc) =	sbr.rel @!p2 .LBB1_6-.Ltmp1, $4  }
0x1a: {  	s15 =	simm.s32 @!p1 $0x2  }
0x1b: {  	s13 =	smov.u32 s10;
	p0 =	por !p0, !p0;
	_ =	swait.ge @!p1 [sflag:s15], $0x1000  }
0x1c: {  	s12 =	smov.u32 s9;
	[sflag:s15] =	ssyncset.done @!p1 $0x0;
	s9 =	smov.u32 s14  }
0x1d: {  	s11 =	sadd.s32 $0x1, s11;
	[sflag:s15] =	ssyncadd.s32 @!p1 $0xFFFFF000;
	s10 =	smov.u32 s16  }
.LBB1_1:
0x1e: {  	p1 =	sge.u32 s11, s5  }
0x1f: {  	s14 =	sand.u32 @!p1 $0x1FFFFFF, s9  }
0x20: {  	s15 =	smulhi.u32 @!p1 $0x147AE15, s14;
	_ =	sdelay $0x1  }
0x21: {  	s15 =	smul.u32 @!p1 $0xC8, s15  }
0x22: {  	s16 =	sxor.u32 @!p1 $0xFFFFFFFF, s11;
	s17 =	smul.u32 @!p1 $0xC80, s10  }
0x23: {  	s31 =	sadd.s32 $0xFFFFFFFF, s11;
	s16 =	sshll.u32 @!p1 s16, $0xC;
	s14 =	ssub.s32 @!p1 s14, s15  }
0x24: {  	s15 =	sand.u32 @!p1 $0x1000, s16;
	s16 =	sadd.s32 @!p1 s6, s17;
	s14 =	sshll.u32 @!p1 s14, $0x4  }
0x25: {  	s17 =	simm.s32 @!p1 $0x6400;
	s14 =	sadd.s32 @!p1 s14, s16;
	s16 =	simm.s32 @!p1 $0x20  }
0x26: {  	[tilespmem:s15], [sflag:$0x1] =	stream.strided.gather @!p1 [hbm4b:s14+s16], $0x1000, s17, s16, $0x38;
	[tilespmem:$0x4040] =	vst v63  }
0x27: {  	p1 =	sge.u32 s31, s5  }
.Ltmp2:
0x28: {  	_ = 	snop;
	(pc) =	sbr.rel @p1 .LBB1_5-.Ltmp2, $1  }
0x29: {  	_ =	sdelay $0x3  }
0x2a: {  	s14 =	simm.s32 $0x1  }
0x2b: {  	_ =	swait.ge [sflag:s4], $0x1000;
	s14 =	simm.s32 @!p0 $0x0  }
0x2c: {  	[sflag:s4] =	ssyncset.done $0x0;
	s15 =	sshll.u32 s14, $0xC  }
0x2d: {  	[sflag:s4] =	ssyncadd.s32 $0xFFFFF000;
	s18 =	sor.u32 $0x10, s15  }
0x2e: {  	s14 =	smul.u32 $0x4080, s14;
	v1 =	vld [tilespmem:s18+$0x0]  }
0x2f: {  	s30 =	sand.u32 $0x1, s11;
	v0 =	vld [tilespmem:s18+$0xFFFFFFF0]  }
0x30: {  	s15 =	smul.u32 $0x4080, s30;
	s14 =	sshrl.u32 s14, $0x2  }
0x31: {  	s16 =	sor.u32 $0x2000, s14  }
0x32: {  	s31 =	sshrl.u32 s15, $0x2;
	s15 =	sadd.s32 $0x0, s16  }
0x33: {  	s17 =	simm.s32 $0x4;
	s18 =	sadd.s32 $0x20, s18;
	s14 =	sor.u32 $0x2000, s31;
	[tilespmem:s15+$0x810 ss:$0x81] =	vst.msk $0xffff, v1  }
.LBB1_3:
0x34: {  	v1 =	vld [tilespmem:s18+$0x0];
	p1 =	sne.s32 s17, $0x1FC;
	[tilespmem:s15+$0x0 ss:$0x81] =	vst.msk $0xffff, v0;
	s15 =	smov.u32 s17;
	s17 =	sadd.s32 $0x4, s17  }
.Ltmp3:
0x35: {  	v0 =	vld [tilespmem:s18+$0xFFFFFFF0];
	(pc) =	sbr.rel @p1 .LBB1_3-.Ltmp3, $4  }
0x36: {  	_ = 	snop  }
0x37: {  	s15 =	sshra.s32 s15, $0x2  }
0x38: {  	s15 =	sadd.s32 s15, s16  }
0x39: {  	s18 =	sadd.s32 $0x20, s18;
	[tilespmem:s15+$0x810 ss:$0x81] =	vst.msk $0xffff, v1  }
.Ltmp4:
0x3a: {  	_ = 	snop;
	(pc) =	sbr.rel .LBB1_4-.Ltmp4, $1  }
0x3b: {  	_ =	sdelay $0x3  }
.LBB1_6:
0x3c: {  	_ =	sfence.sel $0x180000  }
0x3d: {  	s2 =	simm.s32 $0x1;
	[bflag:$0x0] =	sbarrier.arrive $0xFFFF  }
0x3e: {  	s31 =	simm.s32 $0x2;
	[sflag:s2] =	ssyncpa.u1 $0x1  }
0x3f: {  	[sflag:s31] =	ssyncpa.u1 $0x1  }
0x40: {  	p0 =	sne.s32 s0, $0x0;
	_ =	strace $0x9000004A  }
0x41: {  	s0 =	sadd.s32 @!p0 $0x100000, s1;
	[bflag:$0x2] =	sbarrier.arrive $0xFFFF  }
0x42: {  	[sflag:s0] =	ssyncadd.tile.s32 @!p0 $0x1;
	_ =	shalt  }
.Lfunc_end1:
_tile_overlayer_lowered:
.L_overlay_start_2:
0x43: {  	(tag) =	ssettag $0x2  }
0x44: {  	s0 =	rddreg [dreg:$0x0];
	s2 =	stileid.u32  }
0x45: {  	s1 =	rddreg [dreg:$0x1];
	p0 =	sne.s32 s2, $0x0  }
0x46: {  	s3 =	rddreg [dreg:$0x2];
	[bflag:$0x3] =	sbarrier.arrive $0xFFFF;
	s2 =	simm.s32 @!p0 $0x1C01  }
0x47: {  	[timem:s3], [sflag:s2] =	dma.local @!p0 [hbm:s0], s1  }
0x48: {  	s0 =	simm.s32 @!p0 $0x1  }
0x49: {  	_ =	swait.ge @!p0 [sflag:s0], s1  }
0x4a: {  	s1 =	ssub.s32 @!p0 $0x0, s1;
	[sflag:s0] =	ssyncset.done @!p0 $0x0  }
0x4b: {  	[sflag:s0] =	ssyncadd.s32 @!p0 s1  }
0x4c: {  	[bflag:$0x3] =	sbarrier.arrive $0xFFFF  }
0x4d: {  	_ =	shalt  }

</sc_bundles>
